<compile_context>
chip_gen: v7x
topology: tpu7x:2x2x1
jax: 0.10.2.dev20260603
libtpu: 0.0.44.dev20260713+nightly
codegen_flags: <defaults>
</compile_context>

<pallas_src>
import functools

import jax
import jax.numpy as jnp
from jax import lax
from jax.experimental import pallas as pl
from jax.experimental.pallas import tpu as pltpu
from jax.experimental.pallas import tpu_sc as plsc

VOCAB = 100000
NPOS = 8192
DMODEL = 1024
BATCH = 4
SEQ = 2048

B = BATCH * SEQ
NW = 32
ROWS_PER_W = B // NW
CHUNK = 16
NCHUNK = ROWS_PER_W // CHUNK
NROUND = NCHUNK // 2
LANES = 16
COLB = DMODEL // LANES

_mesh = plsc.VectorSubcoreMesh(core_axis_name="c", subcore_axis_name="s")


@functools.partial(
    pl.kernel,
    mesh=_mesh,
    out_type=jax.ShapeDtypeStruct((BATCH, SEQ, DMODEL), jnp.float32),
    scratch_types=[
        pltpu.VMEM((ROWS_PER_W,), jnp.int32),
        pltpu.VMEM((ROWS_PER_W,), jnp.int32),
        pltpu.VMEM((CHUNK, DMODEL), jnp.float32),
        pltpu.VMEM((CHUNK, DMODEL), jnp.float32),
        pltpu.VMEM((CHUNK, DMODEL), jnp.float32),
        pltpu.VMEM((CHUNK, DMODEL), jnp.float32),
        pltpu.SemaphoreType.DMA,
        pltpu.SemaphoreType.DMA,
        pltpu.SemaphoreType.DMA,
        pltpu.SemaphoreType.DMA,
        pltpu.SemaphoreType.DMA,
        pltpu.SemaphoreType.DMA,
        pltpu.SemaphoreType.DMA,
        pltpu.SemaphoreType.DMA,
    ],
)
def _emb_kernel(tok_hbm, pos_hbm, wte_hbm, wpe_hbm, out_hbm,
                tok_v, pos_v, a0, a1, b0, b1,
                sit, sip, sga0, sga1, sgb0, sgb1, sst0, sst1):
    wid = lax.axis_index("s") * 2 + lax.axis_index("c")
    wpb = SEQ // ROWS_PER_W
    bi = wid // wpb
    s0 = (wid % wpb) * ROWS_PER_W

    a_bufs, b_bufs = (a0, a1), (b0, b1)
    sga, sgb, sst = (sga0, sga1), (sgb0, sgb1), (sst0, sst1)

    cit = pltpu.async_copy(tok_hbm.at[bi, pl.ds(s0, ROWS_PER_W)], tok_v, sit)
    cip = pltpu.async_copy(pos_hbm.at[bi, pl.ds(s0, ROWS_PER_W)], pos_v, sip)
    cit.wait()
    cip.wait()

    def issue_g(ci, p):
        off = ci * CHUNK
        pltpu.async_copy(
            wte_hbm.at[tok_v.at[pl.ds(off, CHUNK)]], a_bufs[p], sga[p])
        pltpu.async_copy(
            wpe_hbm.at[pos_v.at[pl.ds(off, CHUNK)]], b_bufs[p], sgb[p])

    def wait_g(p):
        pltpu.make_async_copy(
            wte_hbm.at[pl.ds(0, CHUNK)], a_bufs[p], sga[p]).wait()
        pltpu.make_async_copy(
            wpe_hbm.at[pl.ds(0, CHUNK)], b_bufs[p], sgb[p]).wait()

    def issue_s(ci, p):
        pltpu.async_copy(
            a_bufs[p], out_hbm.at[bi, pl.ds(s0 + ci * CHUNK, CHUNK)], sst[p])

    def wait_s(p):
        pltpu.make_async_copy(
            a_bufs[p], out_hbm.at[0, pl.ds(0, CHUNK)], sst[p]).wait()

    def add_into(p):
        a_buf, b_buf = a_bufs[p], b_bufs[p]

        @plsc.parallel_loop(0, COLB, 1, unroll=1)
        def _(j):
            c = j * LANES
            for r in range(CHUNK):
                plsc.addupdate(a_buf.at[r, pl.ds(c, LANES)],
                               b_buf[r, pl.ds(c, LANES)])

    issue_g(0, 0)
    issue_g(1, 1)

    def round_body(i, _):
        c0 = 2 * i
        wait_g(0)
        add_into(0)
        issue_s(c0, 0)
        wait_g(1)
        add_into(1)
        issue_s(c0 + 1, 1)

        @pl.when(i < NROUND - 1)
        def _prefetch():
            wait_s(0)
            issue_g(c0 + 2, 0)
            wait_s(1)
            issue_g(c0 + 3, 1)

        return 0

    lax.fori_loop(0, NROUND, round_body, 0)
    wait_s(0)
    wait_s(1)


def kernel(input_ids, position_ids, wte, wpe):
    tok = input_ids.astype(jnp.int32)
    pos = position_ids.astype(jnp.int32)
    return _emb_kernel(tok, pos, wte, wpe)

# --- scband reference (transcript-rebuilt; emitter-appended) ---
"""Pipeline reference for scband-embedding-86199993631003 (READ-ONLY COPY).

The authoritative reference and input builder live on the scoring server;
editing this copy changes nothing except your own understanding.
"""

import jax, jax.numpy as jnp
import numpy as np

VOCAB = 100000
NPOS = 8192
DMODEL = 1024
BATCH = 4
SEQ = 2048


def setup_inputs(seed: int = 0) -> dict:
    key = jax.random.key(seed)
    k1, k2, k3 = jax.random.split(key, 3)
    input_ids = jax.random.randint(k1, (BATCH, SEQ), 0, VOCAB)
    position_ids = jnp.arange(BATCH * SEQ).reshape(BATCH, SEQ) % NPOS
    wte = jax.random.normal(k2, (VOCAB, DMODEL), dtype=jnp.float32) * 0.02
    wpe = jax.random.normal(k3, (NPOS, DMODEL), dtype=jnp.float32) * 0.02
    return {"input_ids": input_ids, "position_ids": position_ids, "wte": wte, "wpe": wpe}


def reference(input_ids, position_ids, wte, wpe):
    # wte(input_ids) + wpe(position_ids)
    tok = jnp.take(wte, input_ids, axis=0)
    pos = jnp.take(wpe, position_ids, axis=0)
    return tok + pos

if __name__ == "__main__":
    import jax
    _d = setup_inputs()
    print(jax.jit(kernel)(*tuple(_d.values())))

</pallas_src>

<mosaic_0001>
#map = affine_map<(d0, d1) -> (0, 0)>
#map1 = affine_map<(d0, d1) -> (0, 0, 0)>
module attributes {stable_mosaic.version = 14 : i64} {
  func.func @_emb_kernel(%arg0: i32, %arg1: i32, %arg2: memref<4x2048xi32, #tpu.memory_space<hbm>>, %arg3: memref<4x2048xi32, #tpu.memory_space<hbm>>, %arg4: memref<100000x1024xf32, #tpu.memory_space<hbm>>, %arg5: memref<8192x1024xf32, #tpu.memory_space<hbm>>, %arg6: memref<4x2048x1024xf32, #tpu.memory_space<hbm>>, %arg7: memref<256xi32, #tpu.memory_space<vmem>>, %arg8: memref<256xi32, #tpu.memory_space<vmem>>, %arg9: memref<16x1024xf32, #tpu.memory_space<vmem>>, %arg10: memref<16x1024xf32, #tpu.memory_space<vmem>>, %arg11: memref<16x1024xf32, #tpu.memory_space<vmem>>, %arg12: memref<16x1024xf32, #tpu.memory_space<vmem>>, %arg13: memref<!tpu.dma_semaphore, #tpu.memory_space<semaphore_mem>>, %arg14: memref<!tpu.dma_semaphore, #tpu.memory_space<semaphore_mem>>, %arg15: memref<!tpu.dma_semaphore, #tpu.memory_space<semaphore_mem>>, %arg16: memref<!tpu.dma_semaphore, #tpu.memory_space<semaphore_mem>>, %arg17: memref<!tpu.dma_semaphore, #tpu.memory_space<semaphore_mem>>, %arg18: memref<!tpu.dma_semaphore, #tpu.memory_space<semaphore_mem>>, %arg19: memref<!tpu.dma_semaphore, #tpu.memory_space<semaphore_mem>>, %arg20: memref<!tpu.dma_semaphore, #tpu.memory_space<semaphore_mem>>) attributes {dimension_semantics = [#tpu.dimension_semantics<core_parallel>, #tpu.dimension_semantics<subcore_parallel>], iteration_bounds = array<i64: 2, 16>, scalar_prefetch = 0 : i64, scratch_operands = 14 : i64, tpu.core_type = #tpu.core_type<sc_vector_subcore>, window_params = [{transform_indices = #map}, {transform_indices = #map}, {transform_indices = #map}, {transform_indices = #map}, {transform_indices = #map1}]} {
    %mul3A = arith.constant 2 : i32
    %mul3A_0 = arith.muli %arg1, %mul3A : i32
    %add3A = arith.addi %mul3A_0, %arg0 : i32
    %jit3A = arith.constant 8 : i32
    %div3A = arith.divsi %add3A, %jit3A : i32
    %sign3A = arith.constant 0 : i32
    %sign3A_1 = arith.cmpi sgt, %add3A, %sign3A : i32
    %sign3A_2 = arith.extui %sign3A_1 : i1 to i32
    %sign3A_3 = arith.constant 0 : i32
    %sign3A_4 = arith.cmpi slt, %add3A, %sign3A_3 : i32
    %sign3A_5 = arith.extui %sign3A_4 : i1 to i32
    %sign3A_6 = arith.subi %sign3A_2, %sign3A_5 : i32
    %sign3A_7 = arith.constant 0 : i32
    %sign3A_8 = arith.cmpi sgt, %jit3A, %sign3A_7 : i32
    %sign3A_9 = arith.extui %sign3A_8 : i1 to i32
    %sign3A_10 = arith.constant 0 : i32
    %sign3A_11 = arith.cmpi slt, %jit3A, %sign3A_10 : i32
    %sign3A_12 = arith.extui %sign3A_11 : i1 to i32
    %sign3A_13 = arith.subi %sign3A_9, %sign3A_12 : i32
    %ne3A = arith.cmpi ne, %sign3A_6, %sign3A_13 : i32
    %rem3A = arith.remsi %add3A, %jit3A : i32
    %ne3A_14 = arith.constant 0 : i32
    %ne3A_15 = arith.cmpi ne, %rem3A, %ne3A_14 : i32
    %and3A = arith.andi %ne3A, %ne3A_15 : i1
    %sub3A = arith.constant 1 : i32
    %sub3A_16 = arith.subi %div3A, %sub3A : i32
    %select_n3A = arith.select %and3A, %sub3A_16, %div3A : i32
    %jit3A_17 = arith.constant 8 : i32
    %eq3A = arith.constant 0 : i32
    %eq3A_18 = arith.cmpi eq, %jit3A_17, %eq3A : i32
    %jit3A_19 = arith.constant 1 : i32
    %select_n3A_20 = arith.select %eq3A_18, %jit3A_19, %jit3A_17 : i32
    %rem3A_21 = arith.remsi %add3A, %select_n3A_20 : i32
    %ne3A_22 = arith.constant 0 : i32
    %ne3A_23 = arith.cmpi ne, %rem3A_21, %ne3A_22 : i32
    %lt3A = arith.constant 0 : i32
    %lt3A_24 = arith.cmpi slt, %rem3A_21, %lt3A : i32
    %lt3A_25 = arith.constant 0 : i32
    %lt3A_26 = arith.cmpi slt, %select_n3A_20, %lt3A_25 : i32
    %ne3A_27 = arith.xori %lt3A_24, %lt3A_26 : i1
    %and3A_28 = arith.andi %ne3A_27, %ne3A_23 : i1
    %add3A_29 = arith.addi %rem3A_21, %select_n3A_20 : i32
    %select_n3A_30 = arith.select %and3A_28, %add3A_29, %rem3A_21 : i32
    %mul3A_31 = arith.constant 256 : i32
    %mul3A_32 = arith.muli %select_n3A_30, %mul3A_31 : i32
    %dma_start3A = tpu.memref_slice %arg2[%select_n3A, %mul3A_32] : memref<4x2048xi32, #tpu.memory_space<hbm>> -> memref<1x256xi32, #tpu.memory_space<hbm>>
    %dma_start3A_33 = tpu.memref_squeeze %dma_start3A : memref<1x256xi32, #tpu.memory_space<hbm>> -> memref<256xi32, #tpu.memory_space<hbm>>
    %dma_start3A_34 = tpu.memref_slice %arg2[%select_n3A, %mul3A_32] : memref<4x2048xi32, #tpu.memory_space<hbm>> -> memref<1x256xi32, #tpu.memory_space<hbm>>
    %dma_start3A_35 = tpu.memref_squeeze %dma_start3A_34 : memref<1x256xi32, #tpu.memory_space<hbm>> -> memref<256xi32, #tpu.memory_space<hbm>>
    tpu.enqueue_dma source(%dma_start3A_35 : memref<256xi32, #tpu.memory_space<hbm>>) target(%arg7 : memref<256xi32, #tpu.memory_space<vmem>>) target_semaphore(%arg13 : memref<!tpu.dma_semaphore, #tpu.memory_space<semaphore_mem>>)
    %dma_start3A_36 = tpu.memref_slice %arg3[%select_n3A, %mul3A_32] : memref<4x2048xi32, #tpu.memory_space<hbm>> -> memref<1x256xi32, #tpu.memory_space<hbm>>
    %dma_start3A_37 = tpu.memref_squeeze %dma_start3A_36 : memref<1x256xi32, #tpu.memory_space<hbm>> -> memref<256xi32, #tpu.memory_space<hbm>>
    %dma_start3A_38 = tpu.memref_slice %arg3[%select_n3A, %mul3A_32] : memref<4x2048xi32, #tpu.memory_space<hbm>> -> memref<1x256xi32, #tpu.memory_space<hbm>>
    %dma_start3A_39 = tpu.memref_squeeze %dma_start3A_38 : memref<1x256xi32, #tpu.memory_space<hbm>> -> memref<256xi32, #tpu.memory_space<hbm>>
    tpu.enqueue_dma source(%dma_start3A_39 : memref<256xi32, #tpu.memory_space<hbm>>) target(%arg8 : memref<256xi32, #tpu.memory_space<vmem>>) target_semaphore(%arg14 : memref<!tpu.dma_semaphore, #tpu.memory_space<semaphore_mem>>)
    %dma_wait3A = tpu.memref_slice %arg2[%select_n3A, %mul3A_32] : memref<4x2048xi32, #tpu.memory_space<hbm>> -> memref<1x256xi32, #tpu.memory_space<hbm>>
    %dma_wait3A_40 = tpu.memref_squeeze %dma_wait3A : memref<1x256xi32, #tpu.memory_space<hbm>> -> memref<256xi32, #tpu.memory_space<hbm>>
    %dma_wait3A_41 = tpu.memref_slice %arg2[%select_n3A, %mul3A_32] : memref<4x2048xi32, #tpu.memory_space<hbm>> -> memref<1x256xi32, #tpu.memory_space<hbm>>
    %dma_wait3A_42 = tpu.memref_squeeze %dma_wait3A_41 : memref<1x256xi32, #tpu.memory_space<hbm>> -> memref<256xi32, #tpu.memory_space<hbm>>
    tpu.wait_dma2 semaphore(%arg13 : memref<!tpu.dma_semaphore, #tpu.memory_space<semaphore_mem>>) src(%dma_wait3A_42 : memref<256xi32, #tpu.memory_space<hbm>>) dst(%arg7 : memref<256xi32, #tpu.memory_space<vmem>>)
    %dma_wait3A_43 = tpu.memref_slice %arg3[%select_n3A, %mul3A_32] : memref<4x2048xi32, #tpu.memory_space<hbm>> -> memref<1x256xi32, #tpu.memory_space<hbm>>
    %dma_wait3A_44 = tpu.memref_squeeze %dma_wait3A_43 : memref<1x256xi32, #tpu.memory_space<hbm>> -> memref<256xi32, #tpu.memory_space<hbm>>
    %dma_wait3A_45 = tpu.memref_slice %arg3[%select_n3A, %mul3A_32] : memref<4x2048xi32, #tpu.memory_space<hbm>> -> memref<1x256xi32, #tpu.memory_space<hbm>>
    %dma_wait3A_46 = tpu.memref_squeeze %dma_wait3A_45 : memref<1x256xi32, #tpu.memory_space<hbm>> -> memref<256xi32, #tpu.memory_space<hbm>>
    tpu.wait_dma2 semaphore(%arg14 : memref<!tpu.dma_semaphore, #tpu.memory_space<semaphore_mem>>) src(%dma_wait3A_46 : memref<256xi32, #tpu.memory_space<hbm>>) dst(%arg8 : memref<256xi32, #tpu.memory_space<vmem>>)
    %dma_start3A_47 = arith.constant 0 : i32
    %dma_start3A_48 = tpu.memref_slice %arg7[%dma_start3A_47] : memref<256xi32, #tpu.memory_space<vmem>> -> memref<16xi32, #tpu.memory_space<vmem>>
    %dma_start3A_49 = arith.constant 0 : i32
    %dma_start3A_50 = arith.constant 0 : i32
    %dma_start3A_51 = tpu.memref_slice %arg4[%dma_start3A_49, %dma_start3A_50] : memref<100000x1024xf32, #tpu.memory_space<hbm>> -> memref<100000x1024xf32, #tpu.memory_space<hbm>>
    tpu.enqueue_indirect_dma source(%dma_start3A_51 : memref<100000x1024xf32, #tpu.memory_space<hbm>>) target(%arg9 : memref<16x1024xf32, #tpu.memory_space<vmem>>) offsets(%dma_start3A_48 : memref<16xi32, #tpu.memory_space<vmem>>) semaphore(%arg15 : memref<!tpu.dma_semaphore, #tpu.memory_space<semaphore_mem>>)
    %dma_start3A_52 = arith.constant 0 : i32
    %dma_start3A_53 = tpu.memref_slice %arg8[%dma_start3A_52] : memref<256xi32, #tpu.memory_space<vmem>> -> memref<16xi32, #tpu.memory_space<vmem>>
    %dma_start3A_54 = arith.constant 0 : i32
    %dma_start3A_55 = arith.constant 0 : i32
    %dma_start3A_56 = tpu.memref_slice %arg5[%dma_start3A_54, %dma_start3A_55] : memref<8192x1024xf32, #tpu.memory_space<hbm>> -> memref<8192x1024xf32, #tpu.memory_space<hbm>>
    tpu.enqueue_indirect_dma source(%dma_start3A_56 : memref<8192x1024xf32, #tpu.memory_space<hbm>>) target(%arg11 : memref<16x1024xf32, #tpu.memory_space<vmem>>) offsets(%dma_start3A_53 : memref<16xi32, #tpu.memory_space<vmem>>) semaphore(%arg17 : memref<!tpu.dma_semaphore, #tpu.memory_space<semaphore_mem>>)
    %dma_start3A_57 = arith.constant 16 : i32
    %dma_start3A_58 = tpu.memref_slice %arg7[%dma_start3A_57] : memref<256xi32, #tpu.memory_space<vmem>> -> memref<16xi32, #tpu.memory_space<vmem>>
    %dma_start3A_59 = arith.constant 0 : i32
    %dma_start3A_60 = arith.constant 0 : i32
    %dma_start3A_61 = tpu.memref_slice %arg4[%dma_start3A_59, %dma_start3A_60] : memref<100000x1024xf32, #tpu.memory_space<hbm>> -> memref<100000x1024xf32, #tpu.memory_space<hbm>>
    tpu.enqueue_indirect_dma source(%dma_start3A_61 : memref<100000x1024xf32, #tpu.memory_space<hbm>>) target(%arg10 : memref<16x1024xf32, #tpu.memory_space<vmem>>) offsets(%dma_start3A_58 : memref<16xi32, #tpu.memory_space<vmem>>) semaphore(%arg16 : memref<!tpu.dma_semaphore, #tpu.memory_space<semaphore_mem>>)
    %dma_start3A_62 = arith.constant 16 : i32
    %dma_start3A_63 = tpu.memref_slice %arg8[%dma_start3A_62] : memref<256xi32, #tpu.memory_space<vmem>> -> memref<16xi32, #tpu.memory_space<vmem>>
    %dma_start3A_64 = arith.constant 0 : i32
    %dma_start3A_65 = arith.constant 0 : i32
    %dma_start3A_66 = tpu.memref_slice %arg5[%dma_start3A_64, %dma_start3A_65] : memref<8192x1024xf32, #tpu.memory_space<hbm>> -> memref<8192x1024xf32, #tpu.memory_space<hbm>>
    tpu.enqueue_indirect_dma source(%dma_start3A_66 : memref<8192x1024xf32, #tpu.memory_space<hbm>>) target(%arg12 : memref<16x1024xf32, #tpu.memory_space<vmem>>) offsets(%dma_start3A_63 : memref<16xi32, #tpu.memory_space<vmem>>) semaphore(%arg18 : memref<!tpu.dma_semaphore, #tpu.memory_space<semaphore_mem>>)
    %scan3A = arith.constant 0 : i32
    %scan3A_67 = arith.constant 0 : i32
    %scan3A_68 = arith.constant 8 : i32
    %scan3A_69 = arith.addi %scan3A_67, %scan3A_68 : i32
    %scan3A_70 = arith.constant 1 : i32
    %scan3A_71 = scf.for %scan3A_91 = %scan3A_67 to %scan3A_69 step %scan3A_70 iter_args(%scan3A_92 = %scan3A) -> (i32)  : i32 {
      %mul3A_93 = arith.constant 2 : i32
      %mul3A_94 = arith.muli %mul3A_93, %scan3A_91 : i32
      %dma_wait3A_95 = arith.constant 0 : i32
      %dma_wait3A_96 = arith.constant 0 : i32
      %dma_wait3A_97 = tpu.memref_slice %arg4[%dma_wait3A_95, %dma_wait3A_96] : memref<100000x1024xf32, #tpu.memory_space<hbm>> -> memref<16x1024xf32, #tpu.memory_space<hbm>>
      %dma_wait3A_98 = arith.constant 0 : i32
      %dma_wait3A_99 = arith.constant 0 : i32
      %dma_wait3A_100 = tpu.memref_slice %arg4[%dma_wait3A_98, %dma_wait3A_99] : memref<100000x1024xf32, #tpu.memory_space<hbm>> -> memref<16x1024xf32, #tpu.memory_space<hbm>>
      tpu.wait_dma2 semaphore(%arg15 : memref<!tpu.dma_semaphore, #tpu.memory_space<semaphore_mem>>) src(%dma_wait3A_100 : memref<16x1024xf32, #tpu.memory_space<hbm>>) dst(%arg9 : memref<16x1024xf32, #tpu.memory_space<vmem>>)
      %dma_wait3A_101 = arith.constant 0 : i32
      %dma_wait3A_102 = arith.constant 0 : i32
      %dma_wait3A_103 = tpu.memref_slice %arg5[%dma_wait3A_101, %dma_wait3A_102] : memref<8192x1024xf32, #tpu.memory_space<hbm>> -> memref<16x1024xf32, #tpu.memory_space<hbm>>
      %dma_wait3A_104 = arith.constant 0 : i32
      %dma_wait3A_105 = arith.constant 0 : i32
      %dma_wait3A_106 = tpu.memref_slice %arg5[%dma_wait3A_104, %dma_wait3A_105] : memref<8192x1024xf32, #tpu.memory_space<hbm>> -> memref<16x1024xf32, #tpu.memory_space<hbm>>
      tpu.wait_dma2 semaphore(%arg17 : memref<!tpu.dma_semaphore, #tpu.memory_space<semaphore_mem>>) src(%dma_wait3A_106 : memref<16x1024xf32, #tpu.memory_space<hbm>>) dst(%arg11 : memref<16x1024xf32, #tpu.memory_space<vmem>>)
      %parallel_loop3A = arith.constant 0 : i32
      %parallel_loop3A_107 = arith.constant 64 : i32
      %parallel_loop3A_108 = arith.constant 1 : i32
      scf.for %parallel_loop3A_148 = %parallel_loop3A to %parallel_loop3A_107 step %parallel_loop3A_108  : i32 {
        %parallel_loop3A_149 = arith.constant 16 : i32
        %parallel_loop3A_150 = arith.muli %parallel_loop3A_148, %parallel_loop3A_149 : i32
        %parallel_loop3A_151 = arith.constant 0 : i32
        %parallel_loop3A_152 = arith.index_cast %parallel_loop3A_151 : i32 to index
        %parallel_loop3A_153 = arith.index_cast %parallel_loop3A_150 : i32 to index
        %parallel_loop3A_154 = tpu.vector_load %arg11[%parallel_loop3A_152, %parallel_loop3A_153] {strides = array<i32>} : memref<16x1024xf32, #tpu.memory_space<vmem>>, vector<1x16xf32>,
        %parallel_loop3A_155 = vector.shape_cast %parallel_loop3A_154 : vector<1x16xf32> to vector<16xf32>
        %parallel_loop3A_156 = arith.constant 0 : i32
        %parallel_loop3A_157 = arith.index_cast %parallel_loop3A_156 : i32 to index
        %parallel_loop3A_158 = arith.index_cast %parallel_loop3A_150 : i32 to index
        %parallel_loop3A_159 = tpu.vector_load %arg9[%parallel_loop3A_157, %parallel_loop3A_158] {strides = array<i32>} : memref<16x1024xf32, #tpu.memory_space<vmem>>, vector<1x16xf32>,
        %parallel_loop3A_160 = vector.shape_cast %parallel_loop3A_159 : vector<1x16xf32> to vector<16xf32>
        %parallel_loop3A_161 = vector.shape_cast %parallel_loop3A_155 : vector<16xf32> to vector<1x16xf32>
        tpu.vector_store %arg9[%parallel_loop3A_157, %parallel_loop3A_158], %parallel_loop3A_161 {add = true, strides = array<i32>} : memref<16x1024xf32, #tpu.memory_space<vmem>>, vector<1x16xf32>,
        %parallel_loop3A_162 = arith.constant 1 : i32
        %parallel_loop3A_163 = arith.index_cast %parallel_loop3A_162 : i32 to index
        %parallel_loop3A_164 = arith.index_cast %parallel_loop3A_150 : i32 to index
        %parallel_loop3A_165 = tpu.vector_load %arg11[%parallel_loop3A_163, %parallel_loop3A_164] {strides = array<i32>} : memref<16x1024xf32, #tpu.memory_space<vmem>>, vector<1x16xf32>,
        %parallel_loop3A_166 = vector.shape_cast %parallel_loop3A_165 : vector<1x16xf32> to vector<16xf32>
        %parallel_loop3A_167 = arith.constant 1 : i32
        %parallel_loop3A_168 = arith.index_cast %parallel_loop3A_167 : i32 to index
        %parallel_loop3A_169 = arith.index_cast %parallel_loop3A_150 : i32 to index
        %parallel_loop3A_170 = tpu.vector_load %arg9[%parallel_loop3A_168, %parallel_loop3A_169] {strides = array<i32>} : memref<16x1024xf32, #tpu.memory_space<vmem>>, vector<1x16xf32>,
        %parallel_loop3A_171 = vector.shape_cast %parallel_loop3A_170 : vector<1x16xf32> to vector<16xf32>
        %parallel_loop3A_172 = vector.shape_cast %parallel_loop3A_166 : vector<16xf32> to vector<1x16xf32>
        tpu.vector_store %arg9[%parallel_loop3A_168, %parallel_loop3A_169], %parallel_loop3A_172 {add = true, strides = array<i32>} : memref<16x1024xf32, #tpu.memory_space<vmem>>, vector<1x16xf32>,
        %parallel_loop3A_173 = arith.constant 2 : i32
        %parallel_loop3A_174 = arith.index_cast %parallel_loop3A_173 : i32 to index
        %parallel_loop3A_175 = arith.index_cast %parallel_loop3A_150 : i32 to index
        %parallel_loop3A_176 = tpu.vector_load %arg11[%parallel_loop3A_174, %parallel_loop3A_175] {strides = array<i32>} : memref<16x1024xf32, #tpu.memory_space<vmem>>, vector<1x16xf32>,
        %parallel_loop3A_177 = vector.shape_cast %parallel_loop3A_176 : vector<1x16xf32> to vector<16xf32>
        %parallel_loop3A_178 = arith.constant 2 : i32
        %parallel_loop3A_179 = arith.index_cast %parallel_loop3A_178 : i32 to index
        %parallel_loop3A_180 = arith.index_cast %parallel_loop3A_150 : i32 to index
        %parallel_loop3A_181 = tpu.vector_load %arg9[%parallel_loop3A_179, %parallel_loop3A_180] {strides = array<i32>} : memref<16x1024xf32, #tpu.memory_space<vmem>>, vector<1x16xf32>,
        %parallel_loop3A_182 = vector.shape_cast %parallel_loop3A_181 : vector<1x16xf32> to vector<16xf32>
        %parallel_loop3A_183 = vector.shape_cast %parallel_loop3A_177 : vector<16xf32> to vector<1x16xf32>
        tpu.vector_store %arg9[%parallel_loop3A_179, %parallel_loop3A_180], %parallel_loop3A_183 {add = true, strides = array<i32>} : memref<16x1024xf32, #tpu.memory_space<vmem>>, vector<1x16xf32>,
        %parallel_loop3A_184 = arith.constant 3 : i32
        %parallel_loop3A_185 = arith.index_cast %parallel_loop3A_184 : i32 to index
        %parallel_loop3A_186 = arith.index_cast %parallel_loop3A_150 : i32 to index
        %parallel_loop3A_187 = tpu.vector_load %arg11[%parallel_loop3A_185, %parallel_loop3A_186] {strides = array<i32>} : memref<16x1024xf32, #tpu.memory_space<vmem>>, vector<1x16xf32>,
        %parallel_loop3A_188 = vector.shape_cast %parallel_loop3A_187 : vector<1x16xf32> to vector<16xf32>
        %parallel_loop3A_189 = arith.constant 3 : i32
        %parallel_loop3A_190 = arith.index_cast %parallel_loop3A_189 : i32 to index
        %parallel_loop3A_191 = arith.index_cast %parallel_loop3A_150 : i32 to index
        %parallel_loop3A_192 = tpu.vector_load %arg9[%parallel_loop3A_190, %parallel_loop3A_191] {strides = array<i32>} : memref<16x1024xf32, #tpu.memory_space<vmem>>, vector<1x16xf32>,
        %parallel_loop3A_193 = vector.shape_cast %parallel_loop3A_192 : vector<1x16xf32> to vector<16xf32>
        %parallel_loop3A_194 = vector.shape_cast %parallel_loop3A_188 : vector<16xf32> to vector<1x16xf32>
        tpu.vector_store %arg9[%parallel_loop3A_190, %parallel_loop3A_191], %parallel_loop3A_194 {add = true, strides = array<i32>} : memref<16x1024xf32, #tpu.memory_space<vmem>>, vector<1x16xf32>,
        %parallel_loop3A_195 = arith.constant 4 : i32
        %parallel_loop3A_196 = arith.index_cast %parallel_loop3A_195 : i32 to index
        %parallel_loop3A_197 = arith.index_cast %parallel_loop3A_150 : i32 to index
        %parallel_loop3A_198 = tpu.vector_load %arg11[%parallel_loop3A_196, %parallel_loop3A_197] {strides = array<i32>} : memref<16x1024xf32, #tpu.memory_space<vmem>>, vector<1x16xf32>,
        %parallel_loop3A_199 = vector.shape_cast %parallel_loop3A_198 : vector<1x16xf32> to vector<16xf32>
        %parallel_loop3A_200 = arith.constant 4 : i32
        %parallel_loop3A_201 = arith.index_cast %parallel_loop3A_200 : i32 to index
        %parallel_loop3A_202 = arith.index_cast %parallel_loop3A_150 : i32 to index
        %parallel_loop3A_203 = tpu.vector_load %arg9[%parallel_loop3A_201, %parallel_loop3A_202] {strides = array<i32>} : memref<16x1024xf32, #tpu.memory_space<vmem>>, vector<1x16xf32>,
        %parallel_loop3A_204 = vector.shape_cast %parallel_loop3A_203 : vector<1x16xf32> to vector<16xf32>
        %parallel_loop3A_205 = vector.shape_cast %parallel_loop3A_199 : vector<16xf32> to vector<1x16xf32>
        tpu.vector_store %arg9[%parallel_loop3A_201, %parallel_loop3A_202], %parallel_loop3A_205 {add = true, strides = array<i32>} : memref<16x1024xf32, #tpu.memory_space<vmem>>, vector<1x16xf32>,
        %parallel_loop3A_206 = arith.constant 5 : i32
        %parallel_loop3A_207 = arith.index_cast %parallel_loop3A_206 : i32 to index
        %parallel_loop3A_208 = arith.index_cast %parallel_loop3A_150 : i32 to index
        %parallel_loop3A_209 = tpu.vector_load %arg11[%parallel_loop3A_207, %parallel_loop3A_208] {strides = array<i32>} : memref<16x1024xf32, #tpu.memory_space<vmem>>, vector<1x16xf32>,
        %parallel_loop3A_210 = vector.shape_cast %parallel_loop3A_209 : vector<1x16xf32> to vector<16xf32>
        %parallel_loop3A_211 = arith.constant 5 : i32
        %parallel_loop3A_212 = arith.index_cast %parallel_loop3A_211 : i32 to index
        %parallel_loop3A_213 = arith.index_cast %parallel_loop3A_150 : i32 to index
        %parallel_loop3A_214 = tpu.vector_load %arg9[%parallel_loop3A_212, %parallel_loop3A_213] {strides = array<i32>} : memref<16x1024xf32, #tpu.memory_space<vmem>>, vector<1x16xf32>,
        %parallel_loop3A_215 = vector.shape_cast %parallel_loop3A_214 : vector<1x16xf32> to vector<16xf32>
        %parallel_loop3A_216 = vector.shape_cast %parallel_loop3A_210 : vector<16xf32> to vector<1x16xf32>
        tpu.vector_store %arg9[%parallel_loop3A_212, %parallel_loop3A_213], %parallel_loop3A_216 {add = true, strides = array<i32>} : memref<16x1024xf32, #tpu.memory_space<vmem>>, vector<1x16xf32>,
        %parallel_loop3A_217 = arith.constant 6 : i32
        %parallel_loop3A_218 = arith.index_cast %parallel_loop3A_217 : i32 to index
        %parallel_loop3A_219 = arith.index_cast %parallel_loop3A_150 : i32 to index
        %parallel_loop3A_220 = tpu.vector_load %arg11[%parallel_loop3A_218, %parallel_loop3A_219] {strides = array<i32>} : memref<16x1024xf32, #tpu.memory_space<vmem>>, vector<1x16xf32>,
        %parallel_loop3A_221 = vector.shape_cast %parallel_loop3A_220 : vector<1x16xf32> to vector<16xf32>
        %parallel_loop3A_222 = arith.constant 6 : i32
        %parallel_loop3A_223 = arith.index_cast %parallel_loop3A_222 : i32 to index
        %parallel_loop3A_224 = arith.index_cast %parallel_loop3A_150 : i32 to index
        %parallel_loop3A_225 = tpu.vector_load %arg9[%parallel_loop3A_223, %parallel_loop3A_224] {strides = array<i32>} : memref<16x1024xf32, #tpu.memory_space<vmem>>, vector<1x16xf32>,
        %parallel_loop3A_226 = vector.shape_cast %parallel_loop3A_225 : vector<1x16xf32> to vector<16xf32>
        %parallel_loop3A_227 = vector.shape_cast %parallel_loop3A_221 : vector<16xf32> to vector<1x16xf32>
        tpu.vector_store %arg9[%parallel_loop3A_223, %parallel_loop3A_224], %parallel_loop3A_227 {add = true, strides = array<i32>} : memref<16x1024xf32, #tpu.memory_space<vmem>>, vector<1x16xf32>,
        %parallel_loop3A_228 = arith.constant 7 : i32
        %parallel_loop3A_229 = arith.index_cast %parallel_loop3A_228 : i32 to index
        %parallel_loop3A_230 = arith.index_cast %parallel_loop3A_150 : i32 to index
        %parallel_loop3A_231 = tpu.vector_load %arg11[%parallel_loop3A_229, %parallel_loop3A_230] {strides = array<i32>} : memref<16x1024xf32, #tpu.memory_space<vmem>>, vector<1x16xf32>,
        %parallel_loop3A_232 = vector.shape_cast %parallel_loop3A_231 : vector<1x16xf32> to vector<16xf32>
        %parallel_loop3A_233 = arith.constant 7 : i32
        %parallel_loop3A_234 = arith.index_cast %parallel_loop3A_233 : i32 to index
        %parallel_loop3A_235 = arith.index_cast %parallel_loop3A_150 : i32 to index
        %parallel_loop3A_236 = tpu.vector_load %arg9[%parallel_loop3A_234, %parallel_loop3A_235] {strides = array<i32>} : memref<16x1024xf32, #tpu.memory_space<vmem>>, vector<1x16xf32>,
        %parallel_loop3A_237 = vector.shape_cast %parallel_loop3A_236 : vector<1x16xf32> to vector<16xf32>
        %parallel_loop3A_238 = vector.shape_cast %parallel_loop3A_232 : vector<16xf32> to vector<1x16xf32>
        tpu.vector_store %arg9[%parallel_loop3A_234, %parallel_loop3A_235], %parallel_loop3A_238 {add = true, strides = array<i32>} : memref<16x1024xf32, #tpu.memory_space<vmem>>, vector<1x16xf32>,
        %parallel_loop3A_239 = arith.constant 8 : i32
        %parallel_loop3A_240 = arith.index_cast %parallel_loop3A_239 : i32 to index
        %parallel_loop3A_241 = arith.index_cast %parallel_loop3A_150 : i32 to index
        %parallel_loop3A_242 = tpu.vector_load %arg11[%parallel_loop3A_240, %parallel_loop3A_241] {strides = array<i32>} : memref<16x1024xf32, #tpu.memory_space<vmem>>, vector<1x16xf32>,
        %parallel_loop3A_243 = vector.shape_cast %parallel_loop3A_242 : vector<1x16xf32> to vector<16xf32>
        %parallel_loop3A_244 = arith.constant 8 : i32
        %parallel_loop3A_245 = arith.index_cast %parallel_loop3A_244 : i32 to index
        %parallel_loop3A_246 = arith.index_cast %parallel_loop3A_150 : i32 to index
        %parallel_loop3A_247 = tpu.vector_load %arg9[%parallel_loop3A_245, %parallel_loop3A_246] {strides = array<i32>} : memref<16x1024xf32, #tpu.memory_space<vmem>>, vector<1x16xf32>,
        %parallel_loop3A_248 = vector.shape_cast %parallel_loop3A_247 : vector<1x16xf32> to vector<16xf32>
        %parallel_loop3A_249 = vector.shape_cast %parallel_loop3A_243 : vector<16xf32> to vector<1x16xf32>
        tpu.vector_store %arg9[%parallel_loop3A_245, %parallel_loop3A_246], %parallel_loop3A_249 {add = true, strides = array<i32>} : memref<16x1024xf32, #tpu.memory_space<vmem>>, vector<1x16xf32>,
        %parallel_loop3A_250 = arith.constant 9 : i32
        %parallel_loop3A_251 = arith.index_cast %parallel_loop3A_250 : i32 to index
        %parallel_loop3A_252 = arith.index_cast %parallel_loop3A_150 : i32 to index
        %parallel_loop3A_253 = tpu.vector_load %arg11[%parallel_loop3A_251, %parallel_loop3A_252] {strides = array<i32>} : memref<16x1024xf32, #tpu.memory_space<vmem>>, vector<1x16xf32>,
        %parallel_loop3A_254 = vector.shape_cast %parallel_loop3A_253 : vector<1x16xf32> to vector<16xf32>
        %parallel_loop3A_255 = arith.constant 9 : i32
        %parallel_loop3A_256 = arith.index_cast %parallel_loop3A_255 : i32 to index
        %parallel_loop3A_257 = arith.index_cast %parallel_loop3A_150 : i32 to index
        %parallel_loop3A_258 = tpu.vector_load %arg9[%parallel_loop3A_256, %parallel_loop3A_257] {strides = array<i32>} : memref<16x1024xf32, #tpu.memory_space<vmem>>, vector<1x16xf32>,
        %parallel_loop3A_259 = vector.shape_cast %parallel_loop3A_258 : vector<1x16xf32> to vector<16xf32>
        %parallel_loop3A_260 = vector.shape_cast %parallel_loop3A_254 : vector<16xf32> to vector<1x16xf32>
        tpu.vector_store %arg9[%parallel_loop3A_256, %parallel_loop3A_257], %parallel_loop3A_260 {add = true, strides = array<i32>} : memref<16x1024xf32, #tpu.memory_space<vmem>>, vector<1x16xf32>,
        %parallel_loop3A_261 = arith.constant 10 : i32
        %parallel_loop3A_262 = arith.index_cast %parallel_loop3A_261 : i32 to index
        %parallel_loop3A_263 = arith.index_cast %parallel_loop3A_150 : i32 to index
        %parallel_loop3A_264 = tpu.vector_load %arg11[%parallel_loop3A_262, %parallel_loop3A_263] {strides = array<i32>} : memref<16x1024xf32, #tpu.memory_space<vmem>>, vector<1x16xf32>,
        %parallel_loop3A_265 = vector.shape_cast %parallel_loop3A_264 : vector<1x16xf32> to vector<16xf32>
        %parallel_loop3A_266 = arith.constant 10 : i32
        %parallel_loop3A_267 = arith.index_cast %parallel_loop3A_266 : i32 to index
        %parallel_loop3A_268 = arith.index_cast %parallel_loop3A_150 : i32 to index
        %parallel_loop3A_269 = tpu.vector_load %arg9[%parallel_loop3A_267, %parallel_loop3A_268] {strides = array<i32>} : memref<16x1024xf32, #tpu.memory_space<vmem>>, vector<1x16xf32>,
        %parallel_loop3A_270 = vector.shape_cast %parallel_loop3A_269 : vector<1x16xf32> to vector<16xf32>
        %parallel_loop3A_271 = vector.shape_cast %parallel_loop3A_265 : vector<16xf32> to vector<1x16xf32>
        tpu.vector_store %arg9[%parallel_loop3A_267, %parallel_loop3A_268], %parallel_loop3A_271 {add = true, strides = array<i32>} : memref<16x1024xf32, #tpu.memory_space<vmem>>, vector<1x16xf32>,
        %parallel_loop3A_272 = arith.constant 11 : i32
        %parallel_loop3A_273 = arith.index_cast %parallel_loop3A_272 : i32 to index
        %parallel_loop3A_274 = arith.index_cast %parallel_loop3A_150 : i32 to index
        %parallel_loop3A_275 = tpu.vector_load %arg11[%parallel_loop3A_273, %parallel_loop3A_274] {strides = array<i32>} : memref<16x1024xf32, #tpu.memory_space<vmem>>, vector<1x16xf32>,
        %parallel_loop3A_276 = vector.shape_cast %parallel_loop3A_275 : vector<1x16xf32> to vector<16xf32>
        %parallel_loop3A_277 = arith.constant 11 : i32
        %parallel_loop3A_278 = arith.index_cast %parallel_loop3A_277 : i32 to index
        %parallel_loop3A_279 = arith.index_cast %parallel_loop3A_150 : i32 to index
        %parallel_loop3A_280 = tpu.vector_load %arg9[%parallel_loop3A_278, %parallel_loop3A_279] {strides = array<i32>} : memref<16x1024xf32, #tpu.memory_space<vmem>>, vector<1x16xf32>,
        %parallel_loop3A_281 = vector.shape_cast %parallel_loop3A_280 : vector<1x16xf32> to vector<16xf32>
        %parallel_loop3A_282 = vector.shape_cast %parallel_loop3A_276 : vector<16xf32> to vector<1x16xf32>
        tpu.vector_store %arg9[%parallel_loop3A_278, %parallel_loop3A_279], %parallel_loop3A_282 {add = true, strides = array<i32>} : memref<16x1024xf32, #tpu.memory_space<vmem>>, vector<1x16xf32>,
        %parallel_loop3A_283 = arith.constant 12 : i32
        %parallel_loop3A_284 = arith.index_cast %parallel_loop3A_283 : i32 to index
        %parallel_loop3A_285 = arith.index_cast %parallel_loop3A_150 : i32 to index
        %parallel_loop3A_286 = tpu.vector_load %arg11[%parallel_loop3A_284, %parallel_loop3A_285] {strides = array<i32>} : memref<16x1024xf32, #tpu.memory_space<vmem>>, vector<1x16xf32>,
        %parallel_loop3A_287 = vector.shape_cast %parallel_loop3A_286 : vector<1x16xf32> to vector<16xf32>
        %parallel_loop3A_288 = arith.constant 12 : i32
        %parallel_loop3A_289 = arith.index_cast %parallel_loop3A_288 : i32 to index
        %parallel_loop3A_290 = arith.index_cast %parallel_loop3A_150 : i32 to index
        %parallel_loop3A_291 = tpu.vector_load %arg9[%parallel_loop3A_289, %parallel_loop3A_290] {strides = array<i32>} : memref<16x1024xf32, #tpu.memory_space<vmem>>, vector<1x16xf32>,
        %parallel_loop3A_292 = vector.shape_cast %parallel_loop3A_291 : vector<1x16xf32> to vector<16xf32>
        %parallel_loop3A_293 = vector.shape_cast %parallel_loop3A_287 : vector<16xf32> to vector<1x16xf32>
        tpu.vector_store %arg9[%parallel_loop3A_289, %parallel_loop3A_290], %parallel_loop3A_293 {add = true, strides = array<i32>} : memref<16x1024xf32, #tpu.memory_space<vmem>>, vector<1x16xf32>,
        %parallel_loop3A_294 = arith.constant 13 : i32
        %parallel_loop3A_295 = arith.index_cast %parallel_loop3A_294 : i32 to index
        %parallel_loop3A_296 = arith.index_cast %parallel_loop3A_150 : i32 to index
        %parallel_loop3A_297 = tpu.vector_load %arg11[%parallel_loop3A_295, %parallel_loop3A_296] {strides = array<i32>} : memref<16x1024xf32, #tpu.memory_space<vmem>>, vector<1x16xf32>,
        %parallel_loop3A_298 = vector.shape_cast %parallel_loop3A_297 : vector<1x16xf32> to vector<16xf32>
        %parallel_loop3A_299 = arith.constant 13 : i32
        %parallel_loop3A_300 = arith.index_cast %parallel_loop3A_299 : i32 to index
        %parallel_loop3A_301 = arith.index_cast %parallel_loop3A_150 : i32 to index
        %parallel_loop3A_302 = tpu.vector_load %arg9[%parallel_loop3A_300, %parallel_loop3A_301] {strides = array<i32>} : memref<16x1024xf32, #tpu.memory_space<vmem>>, vector<1x16xf32>,
        %parallel_loop3A_303 = vector.shape_cast %parallel_loop3A_302 : vector<1x16xf32> to vector<16xf32>
        %parallel_loop3A_304 = vector.shape_cast %parallel_loop3A_298 : vector<16xf32> to vector<1x16xf32>
        tpu.vector_store %arg9[%parallel_loop3A_300, %parallel_loop3A_301], %parallel_loop3A_304 {add = true, strides = array<i32>} : memref<16x1024xf32, #tpu.memory_space<vmem>>, vector<1x16xf32>,
        %parallel_loop3A_305 = arith.constant 14 : i32
        %parallel_loop3A_306 = arith.index_cast %parallel_loop3A_305 : i32 to index
        %parallel_loop3A_307 = arith.index_cast %parallel_loop3A_150 : i32 to index
        %parallel_loop3A_308 = tpu.vector_load %arg11[%parallel_loop3A_306, %parallel_loop3A_307] {strides = array<i32>} : memref<16x1024xf32, #tpu.memory_space<vmem>>, vector<1x16xf32>,
        %parallel_loop3A_309 = vector.shape_cast %parallel_loop3A_308 : vector<1x16xf32> to vector<16xf32>
        %parallel_loop3A_310 = arith.constant 14 : i32
        %parallel_loop3A_311 = arith.index_cast %parallel_loop3A_310 : i32 to index
        %parallel_loop3A_312 = arith.index_cast %parallel_loop3A_150 : i32 to index
        %parallel_loop3A_313 = tpu.vector_load %arg9[%parallel_loop3A_311, %parallel_loop3A_312] {strides = array<i32>} : memref<16x1024xf32, #tpu.memory_space<vmem>>, vector<1x16xf32>,
        %parallel_loop3A_314 = vector.shape_cast %parallel_loop3A_313 : vector<1x16xf32> to vector<16xf32>
        %parallel_loop3A_315 = vector.shape_cast %parallel_loop3A_309 : vector<16xf32> to vector<1x16xf32>
        tpu.vector_store %arg9[%parallel_loop3A_311, %parallel_loop3A_312], %parallel_loop3A_315 {add = true, strides = array<i32>} : memref<16x1024xf32, #tpu.memory_space<vmem>>, vector<1x16xf32>,
        %parallel_loop3A_316 = arith.constant 15 : i32
        %parallel_loop3A_317 = arith.index_cast %parallel_loop3A_316 : i32 to index
        %parallel_loop3A_318 = arith.index_cast %parallel_loop3A_150 : i32 to index
        %parallel_loop3A_319 = tpu.vector_load %arg11[%parallel_loop3A_317, %parallel_loop3A_318] {strides = array<i32>} : memref<16x1024xf32, #tpu.memory_space<vmem>>, vector<1x16xf32>,
        %parallel_loop3A_320 = vector.shape_cast %parallel_loop3A_319 : vector<1x16xf32> to vector<16xf32>
        %parallel_loop3A_321 = arith.constant 15 : i32
        %parallel_loop3A_322 = arith.index_cast %parallel_loop3A_321 : i32 to index
        %parallel_loop3A_323 = arith.index_cast %parallel_loop3A_150 : i32 to index
        %parallel_loop3A_324 = tpu.vector_load %arg9[%parallel_loop3A_322, %parallel_loop3A_323] {strides = array<i32>} : memref<16x1024xf32, #tpu.memory_space<vmem>>, vector<1x16xf32>,
        %parallel_loop3A_325 = vector.shape_cast %parallel_loop3A_324 : vector<1x16xf32> to vector<16xf32>
        %parallel_loop3A_326 = vector.shape_cast %parallel_loop3A_320 : vector<16xf32> to vector<1x16xf32>
        tpu.vector_store %arg9[%parallel_loop3A_322, %parallel_loop3A_323], %parallel_loop3A_326 {add = true, strides = array<i32>} : memref<16x1024xf32, #tpu.memory_space<vmem>>, vector<1x16xf32>,
      } {sc.loop_unroll_factor = 1 : i64, sc.parallel_access}
      %mul3A_109 = arith.constant 16 : i32
      %mul3A_110 = arith.muli %mul3A_94, %mul3A_109 : i32
      %add3A_111 = arith.addi %mul3A_32, %mul3A_110 : i32
      %dma_start3A_112 = arith.constant 0 : i32
      %dma_start3A_113 = tpu.memref_slice %arg6[%select_n3A, %add3A_111, %dma_start3A_112] : memref<4x2048x1024xf32, #tpu.memory_space<hbm>> -> memref<1x16x1024xf32, #tpu.memory_space<hbm>>
      %dma_start3A_114 = tpu.memref_squeeze %dma_start3A_113 : memref<1x16x1024xf32, #tpu.memory_space<hbm>> -> memref<16x1024xf32, #tpu.memory_space<hbm>>
      %dma_start3A_115 = arith.constant 0 : i32
      %dma_start3A_116 = tpu.memref_slice %arg6[%select_n3A, %add3A_111, %dma_start3A_115] : memref<4x2048x1024xf32, #tpu.memory_space<hbm>> -> memref<1x16x1024xf32, #tpu.memory_space<hbm>>
      %dma_start3A_117 = tpu.memref_squeeze %dma_start3A_116 : memref<1x16x1024xf32, #tpu.memory_space<hbm>> -> memref<16x1024xf32, #tpu.memory_space<hbm>>
      tpu.enqueue_dma source(%arg9 : memref<16x1024xf32, #tpu.memory_space<vmem>>) target(%dma_start3A_117 : memref<16x1024xf32, #tpu.memory_space<hbm>>) target_semaphore(%arg19 : memref<!tpu.dma_semaphore, #tpu.memory_space<semaphore_mem>>)
      %dma_wait3A_118 = arith.constant 0 : i32
      %dma_wait3A_119 = arith.constant 0 : i32
      %dma_wait3A_120 = tpu.memref_slice %arg4[%dma_wait3A_118, %dma_wait3A_119] : memref<100000x1024xf32, #tpu.memory_space<hbm>> -> memref<16x1024xf32, #tpu.memory_space<hbm>>
      %dma_wait3A_121 = arith.constant 0 : i32
      %dma_wait3A_122 = arith.constant 0 : i32
      %dma_wait3A_123 = tpu.memref_slice %arg4[%dma_wait3A_121, %dma_wait3A_122] : memref<100000x1024xf32, #tpu.memory_space<hbm>> -> memref<16x1024xf32, #tpu.memory_space<hbm>>
      tpu.wait_dma2 semaphore(%arg16 : memref<!tpu.dma_semaphore, #tpu.memory_space<semaphore_mem>>) src(%dma_wait3A_123 : memref<16x1024xf32, #tpu.memory_space<hbm>>) dst(%arg10 : memref<16x1024xf32, #tpu.memory_space<vmem>>)
      %dma_wait3A_124 = arith.constant 0 : i32
      %dma_wait3A_125 = arith.constant 0 : i32
      %dma_wait3A_126 = tpu.memref_slice %arg5[%dma_wait3A_124, %dma_wait3A_125] : memref<8192x1024xf32, #tpu.memory_space<hbm>> -> memref<16x1024xf32, #tpu.memory_space<hbm>>
      %dma_wait3A_127 = arith.constant 0 : i32
      %dma_wait3A_128 = arith.constant 0 : i32
      %dma_wait3A_129 = tpu.memref_slice %arg5[%dma_wait3A_127, %dma_wait3A_128] : memref<8192x1024xf32, #tpu.memory_space<hbm>> -> memref<16x1024xf32, #tpu.memory_space<hbm>>
      tpu.wait_dma2 semaphore(%arg18 : memref<!tpu.dma_semaphore, #tpu.memory_space<semaphore_mem>>) src(%dma_wait3A_129 : memref<16x1024xf32, #tpu.memory_space<hbm>>) dst(%arg12 : memref<16x1024xf32, #tpu.memory_space<vmem>>)
      %parallel_loop3A_130 = arith.constant 0 : i32
      %parallel_loop3A_131 = arith.constant 64 : i32
      %parallel_loop3A_132 = arith.constant 1 : i32
      scf.for %parallel_loop3A_148 = %parallel_loop3A_130 to %parallel_loop3A_131 step %parallel_loop3A_132  : i32 {
        %parallel_loop3A_149 = arith.constant 16 : i32
        %parallel_loop3A_150 = arith.muli %parallel_loop3A_148, %parallel_loop3A_149 : i32
        %parallel_loop3A_151 = arith.constant 0 : i32
        %parallel_loop3A_152 = arith.index_cast %parallel_loop3A_151 : i32 to index
        %parallel_loop3A_153 = arith.index_cast %parallel_loop3A_150 : i32 to index
        %parallel_loop3A_154 = tpu.vector_load %arg12[%parallel_loop3A_152, %parallel_loop3A_153] {strides = array<i32>} : memref<16x1024xf32, #tpu.memory_space<vmem>>, vector<1x16xf32>,
        %parallel_loop3A_155 = vector.shape_cast %parallel_loop3A_154 : vector<1x16xf32> to vector<16xf32>
        %parallel_loop3A_156 = arith.constant 0 : i32
        %parallel_loop3A_157 = arith.index_cast %parallel_loop3A_156 : i32 to index
        %parallel_loop3A_158 = arith.index_cast %parallel_loop3A_150 : i32 to index
        %parallel_loop3A_159 = tpu.vector_load %arg10[%parallel_loop3A_157, %parallel_loop3A_158] {strides = array<i32>} : memref<16x1024xf32, #tpu.memory_space<vmem>>, vector<1x16xf32>,
        %parallel_loop3A_160 = vector.shape_cast %parallel_loop3A_159 : vector<1x16xf32> to vector<16xf32>
        %parallel_loop3A_161 = vector.shape_cast %parallel_loop3A_155 : vector<16xf32> to vector<1x16xf32>
        tpu.vector_store %arg10[%parallel_loop3A_157, %parallel_loop3A_158], %parallel_loop3A_161 {add = true, strides = array<i32>} : memref<16x1024xf32, #tpu.memory_space<vmem>>, vector<1x16xf32>,
        %parallel_loop3A_162 = arith.constant 1 : i32
        %parallel_loop3A_163 = arith.index_cast %parallel_loop3A_162 : i32 to index
        %parallel_loop3A_164 = arith.index_cast %parallel_loop3A_150 : i32 to index
        %parallel_loop3A_165 = tpu.vector_load %arg12[%parallel_loop3A_163, %parallel_loop3A_164] {strides = array<i32>} : memref<16x1024xf32, #tpu.memory_space<vmem>>, vector<1x16xf32>,
        %parallel_loop3A_166 = vector.shape_cast %parallel_loop3A_165 : vector<1x16xf32> to vector<16xf32>
        %parallel_loop3A_167 = arith.constant 1 : i32
        %parallel_loop3A_168 = arith.index_cast %parallel_loop3A_167 : i32 to index
        %parallel_loop3A_169 = arith.index_cast %parallel_loop3A_150 : i32 to index
        %parallel_loop3A_170 = tpu.vector_load %arg10[%parallel_loop3A_168, %parallel_loop3A_169] {strides = array<i32>} : memref<16x1024xf32, #tpu.memory_space<vmem>>, vector<1x16xf32>,
        %parallel_loop3A_171 = vector.shape_cast %parallel_loop3A_170 : vector<1x16xf32> to vector<16xf32>
        %parallel_loop3A_172 = vector.shape_cast %parallel_loop3A_166 : vector<16xf32> to vector<1x16xf32>
        tpu.vector_store %arg10[%parallel_loop3A_168, %parallel_loop3A_169], %parallel_loop3A_172 {add = true, strides = array<i32>} : memref<16x1024xf32, #tpu.memory_space<vmem>>, vector<1x16xf32>,
        %parallel_loop3A_173 = arith.constant 2 : i32
        %parallel_loop3A_174 = arith.index_cast %parallel_loop3A_173 : i32 to index
        %parallel_loop3A_175 = arith.index_cast %parallel_loop3A_150 : i32 to index
        %parallel_loop3A_176 = tpu.vector_load %arg12[%parallel_loop3A_174, %parallel_loop3A_175] {strides = array<i32>} : memref<16x1024xf32, #tpu.memory_space<vmem>>, vector<1x16xf32>,
        %parallel_loop3A_177 = vector.shape_cast %parallel_loop3A_176 : vector<1x16xf32> to vector<16xf32>
        %parallel_loop3A_178 = arith.constant 2 : i32
        %parallel_loop3A_179 = arith.index_cast %parallel_loop3A_178 : i32 to index
        %parallel_loop3A_180 = arith.index_cast %parallel_loop3A_150 : i32 to index
        %parallel_loop3A_181 = tpu.vector_load %arg10[%parallel_loop3A_179, %parallel_loop3A_180] {strides = array<i32>} : memref<16x1024xf32, #tpu.memory_space<vmem>>, vector<1x16xf32>,
        %parallel_loop3A_182 = vector.shape_cast %parallel_loop3A_181 : vector<1x16xf32> to vector<16xf32>
        %parallel_loop3A_183 = vector.shape_cast %parallel_loop3A_177 : vector<16xf32> to vector<1x16xf32>
        tpu.vector_store %arg10[%parallel_loop3A_179, %parallel_loop3A_180], %parallel_loop3A_183 {add = true, strides = array<i32>} : memref<16x1024xf32, #tpu.memory_space<vmem>>, vector<1x16xf32>,
        %parallel_loop3A_184 = arith.constant 3 : i32
        %parallel_loop3A_185 = arith.index_cast %parallel_loop3A_184 : i32 to index
        %parallel_loop3A_186 = arith.index_cast %parallel_loop3A_150 : i32 to index
        %parallel_loop3A_187 = tpu.vector_load %arg12[%parallel_loop3A_185, %parallel_loop3A_186] {strides = array<i32>} : memref<16x1024xf32, #tpu.memory_space<vmem>>, vector<1x16xf32>,
        %parallel_loop3A_188 = vector.shape_cast %parallel_loop3A_187 : vector<1x16xf32> to vector<16xf32>
        %parallel_loop3A_189 = arith.constant 3 : i32
        %parallel_loop3A_190 = arith.index_cast %parallel_loop3A_189 : i32 to index
        %parallel_loop3A_191 = arith.index_cast %parallel_loop3A_150 : i32 to index
        %parallel_loop3A_192 = tpu.vector_load %arg10[%parallel_loop3A_190, %parallel_loop3A_191] {strides = array<i32>} : memref<16x1024xf32, #tpu.memory_space<vmem>>, vector<1x16xf32>,
        %parallel_loop3A_193 = vector.shape_cast %parallel_loop3A_192 : vector<1x16xf32> to vector<16xf32>
        %parallel_loop3A_194 = vector.shape_cast %parallel_loop3A_188 : vector<16xf32> to vector<1x16xf32>
        tpu.vector_store %arg10[%parallel_loop3A_190, %parallel_loop3A_191], %parallel_loop3A_194 {add = true, strides = array<i32>} : memref<16x1024xf32, #tpu.memory_space<vmem>>, vector<1x16xf32>,
        %parallel_loop3A_195 = arith.constant 4 : i32
        %parallel_loop3A_196 = arith.index_cast %parallel_loop3A_195 : i32 to index
        %parallel_loop3A_197 = arith.index_cast %parallel_loop3A_150 : i32 to index
        %parallel_loop3A_198 = tpu.vector_load %arg12[%parallel_loop3A_196, %parallel_loop3A_197] {strides = array<i32>} : memref<16x1024xf32, #tpu.memory_space<vmem>>, vector<1x16xf32>,
        %parallel_loop3A_199 = vector.shape_cast %parallel_loop3A_198 : vector<1x16xf32> to vector<16xf32>
        %parallel_loop3A_200 = arith.constant 4 : i32
        %parallel_loop3A_201 = arith.index_cast %parallel_loop3A_200 : i32 to index
        %parallel_loop3A_202 = arith.index_cast %parallel_loop3A_150 : i32 to index
        %parallel_loop3A_203 = tpu.vector_load %arg10[%parallel_loop3A_201, %parallel_loop3A_202] {strides = array<i32>} : memref<16x1024xf32, #tpu.memory_space<vmem>>, vector<1x16xf32>,
        %parallel_loop3A_204 = vector.shape_cast %parallel_loop3A_203 : vector<1x16xf32> to vector<16xf32>
        %parallel_loop3A_205 = vector.shape_cast %parallel_loop3A_199 : vector<16xf32> to vector<1x16xf32>
        tpu.vector_store %arg10[%parallel_loop3A_201, %parallel_loop3A_202], %parallel_loop3A_205 {add = true, strides = array<i32>} : memref<16x1024xf32, #tpu.memory_space<vmem>>, vector<1x16xf32>,
        %parallel_loop3A_206 = arith.constant 5 : i32
        %parallel_loop3A_207 = arith.index_cast %parallel_loop3A_206 : i32 to index
        %parallel_loop3A_208 = arith.index_cast %parallel_loop3A_150 : i32 to index
        %parallel_loop3A_209 = tpu.vector_load %arg12[%parallel_loop3A_207, %parallel_loop3A_208] {strides = array<i32>} : memref<16x1024xf32, #tpu.memory_space<vmem>>, vector<1x16xf32>,
        %parallel_loop3A_210 = vector.shape_cast %parallel_loop3A_209 : vector<1x16xf32> to vector<16xf32>
        %parallel_loop3A_211 = arith.constant 5 : i32
        %parallel_loop3A_212 = arith.index_cast %parallel_loop3A_211 : i32 to index
        %parallel_loop3A_213 = arith.index_cast %parallel_loop3A_150 : i32 to index
        %parallel_loop3A_214 = tpu.vector_load %arg10[%parallel_loop3A_212, %parallel_loop3A_213] {strides = array<i32>} : memref<16x1024xf32, #tpu.memory_space<vmem>>, vector<1x16xf32>,
        %parallel_loop3A_215 = vector.shape_cast %parallel_loop3A_214 : vector<1x16xf32> to vector<16xf32>
        %parallel_loop3A_216 = vector.shape_cast %parallel_loop3A_210 : vector<16xf32> to vector<1x16xf32>
        tpu.vector_store %arg10[%parallel_loop3A_212, %parallel_loop3A_213], %parallel_loop3A_216 {add = true, strides = array<i32>} : memref<16x1024xf32, #tpu.memory_space<vmem>>, vector<1x16xf32>,
        %parallel_loop3A_217 = arith.constant 6 : i32
        %parallel_loop3A_218 = arith.index_cast %parallel_loop3A_217 : i32 to index
        %parallel_loop3A_219 = arith.index_cast %parallel_loop3A_150 : i32 to index
        %parallel_loop3A_220 = tpu.vector_load %arg12[%parallel_loop3A_218, %parallel_loop3A_219] {strides = array<i32>} : memref<16x1024xf32, #tpu.memory_space<vmem>>, vector<1x16xf32>,
        %parallel_loop3A_221 = vector.shape_cast %parallel_loop3A_220 : vector<1x16xf32> to vector<16xf32>
        %parallel_loop3A_222 = arith.constant 6 : i32
        %parallel_loop3A_223 = arith.index_cast %parallel_loop3A_222 : i32 to index
        %parallel_loop3A_224 = arith.index_cast %parallel_loop3A_150 : i32 to index
        %parallel_loop3A_225 = tpu.vector_load %arg10[%parallel_loop3A_223, %parallel_loop3A_224] {strides = array<i32>} : memref<16x1024xf32, #tpu.memory_space<vmem>>, vector<1x16xf32>,
        %parallel_loop3A_226 = vector.shape_cast %parallel_loop3A_225 : vector<1x16xf32> to vector<16xf32>
        %parallel_loop3A_227 = vector.shape_cast %parallel_loop3A_221 : vector<16xf32> to vector<1x16xf32>
        tpu.vector_store %arg10[%parallel_loop3A_223, %parallel_loop3A_224], %parallel_loop3A_227 {add = true, strides = array<i32>} : memref<16x1024xf32, #tpu.memory_space<vmem>>, vector<1x16xf32>,
        %parallel_loop3A_228 = arith.constant 7 : i32
        %parallel_loop3A_229 = arith.index_cast %parallel_loop3A_228 : i32 to index
        %parallel_loop3A_230 = arith.index_cast %parallel_loop3A_150 : i32 to index
        %parallel_loop3A_231 = tpu.vector_load %arg12[%parallel_loop3A_229, %parallel_loop3A_230] {strides = array<i32>} : memref<16x1024xf32, #tpu.memory_space<vmem>>, vector<1x16xf32>,
        %parallel_loop3A_232 = vector.shape_cast %parallel_loop3A_231 : vector<1x16xf32> to vector<16xf32>
        %parallel_loop3A_233 = arith.constant 7 : i32
        %parallel_loop3A_234 = arith.index_cast %parallel_loop3A_233 : i32 to index
        %parallel_loop3A_235 = arith.index_cast %parallel_loop3A_150 : i32 to index
        %parallel_loop3A_236 = tpu.vector_load %arg10[%parallel_loop3A_234, %parallel_loop3A_235] {strides = array<i32>} : memref<16x1024xf32, #tpu.memory_space<vmem>>, vector<1x16xf32>,
        %parallel_loop3A_237 = vector.shape_cast %parallel_loop3A_236 : vector<1x16xf32> to vector<16xf32>
        %parallel_loop3A_238 = vector.shape_cast %parallel_loop3A_232 : vector<16xf32> to vector<1x16xf32>
        tpu.vector_store %arg10[%parallel_loop3A_234, %parallel_loop3A_235], %parallel_loop3A_238 {add = true, strides = array<i32>} : memref<16x1024xf32, #tpu.memory_space<vmem>>, vector<1x16xf32>,
        %parallel_loop3A_239 = arith.constant 8 : i32
        %parallel_loop3A_240 = arith.index_cast %parallel_loop3A_239 : i32 to index
        %parallel_loop3A_241 = arith.index_cast %parallel_loop3A_150 : i32 to index
        %parallel_loop3A_242 = tpu.vector_load %arg12[%parallel_loop3A_240, %parallel_loop3A_241] {strides = array<i32>} : memref<16x1024xf32, #tpu.memory_space<vmem>>, vector<1x16xf32>,
        %parallel_loop3A_243 = vector.shape_cast %parallel_loop3A_242 : vector<1x16xf32> to vector<16xf32>
        %parallel_loop3A_244 = arith.constant 8 : i32
        %parallel_loop3A_245 = arith.index_cast %parallel_loop3A_244 : i32 to index
        %parallel_loop3A_246 = arith.index_cast %parallel_loop3A_150 : i32 to index
        %parallel_loop3A_247 = tpu.vector_load %arg10[%parallel_loop3A_245, %parallel_loop3A_246] {strides = array<i32>} : memref<16x1024xf32, #tpu.memory_space<vmem>>, vector<1x16xf32>,
        %parallel_loop3A_248 = vector.shape_cast %parallel_loop3A_247 : vector<1x16xf32> to vector<16xf32>
        %parallel_loop3A_249 = vector.shape_cast %parallel_loop3A_243 : vector<16xf32> to vector<1x16xf32>
        tpu.vector_store %arg10[%parallel_loop3A_245, %parallel_loop3A_246], %parallel_loop3A_249 {add = true, strides = array<i32>} : memref<16x1024xf32, #tpu.memory_space<vmem>>, vector<1x16xf32>,
        %parallel_loop3A_250 = arith.constant 9 : i32
        %parallel_loop3A_251 = arith.index_cast %parallel_loop3A_250 : i32 to index
        %parallel_loop3A_252 = arith.index_cast %parallel_loop3A_150 : i32 to index
        %parallel_loop3A_253 = tpu.vector_load %arg12[%parallel_loop3A_251, %parallel_loop3A_252] {strides = array<i32>} : memref<16x1024xf32, #tpu.memory_space<vmem>>, vector<1x16xf32>,
        %parallel_loop3A_254 = vector.shape_cast %parallel_loop3A_253 : vector<1x16xf32> to vector<16xf32>
        %parallel_loop3A_255 = arith.constant 9 : i32
        %parallel_loop3A_256 = arith.index_cast %parallel_loop3A_255 : i32 to index
        %parallel_loop3A_257 = arith.index_cast %parallel_loop3A_150 : i32 to index
        %parallel_loop3A_258 = tpu.vector_load %arg10[%parallel_loop3A_256, %parallel_loop3A_257] {strides = array<i32>} : memref<16x1024xf32, #tpu.memory_space<vmem>>, vector<1x16xf32>,
        %parallel_loop3A_259 = vector.shape_cast %parallel_loop3A_258 : vector<1x16xf32> to vector<16xf32>
        %parallel_loop3A_260 = vector.shape_cast %parallel_loop3A_254 : vector<16xf32> to vector<1x16xf32>
        tpu.vector_store %arg10[%parallel_loop3A_256, %parallel_loop3A_257], %parallel_loop3A_260 {add = true, strides = array<i32>} : memref<16x1024xf32, #tpu.memory_space<vmem>>, vector<1x16xf32>,
        %parallel_loop3A_261 = arith.constant 10 : i32
        %parallel_loop3A_262 = arith.index_cast %parallel_loop3A_261 : i32 to index
        %parallel_loop3A_263 = arith.index_cast %parallel_loop3A_150 : i32 to index
        %parallel_loop3A_264 = tpu.vector_load %arg12[%parallel_loop3A_262, %parallel_loop3A_263] {strides = array<i32>} : memref<16x1024xf32, #tpu.memory_space<vmem>>, vector<1x16xf32>,
        %parallel_loop3A_265 = vector.shape_cast %parallel_loop3A_264 : vector<1x16xf32> to vector<16xf32>
        %parallel_loop3A_266 = arith.constant 10 : i32
        %parallel_loop3A_267 = arith.index_cast %parallel_loop3A_266 : i32 to index
        %parallel_loop3A_268 = arith.index_cast %parallel_loop3A_150 : i32 to index
        %parallel_loop3A_269 = tpu.vector_load %arg10[%parallel_loop3A_267, %parallel_loop3A_268] {strides = array<i32>} : memref<16x1024xf32, #tpu.memory_space<vmem>>, vector<1x16xf32>,
        %parallel_loop3A_270 = vector.shape_cast %parallel_loop3A_269 : vector<1x16xf32> to vector<16xf32>
        %parallel_loop3A_271 = vector.shape_cast %parallel_loop3A_265 : vector<16xf32> to vector<1x16xf32>
        tpu.vector_store %arg10[%parallel_loop3A_267, %parallel_loop3A_268], %parallel_loop3A_271 {add = true, strides = array<i32>} : memref<16x1024xf32, #tpu.memory_space<vmem>>, vector<1x16xf32>,
        %parallel_loop3A_272 = arith.constant 11 : i32
        %parallel_loop3A_273 = arith.index_cast %parallel_loop3A_272 : i32 to index
        %parallel_loop3A_274 = arith.index_cast %parallel_loop3A_150 : i32 to index
        %parallel_loop3A_275 = tpu.vector_load %arg12[%parallel_loop3A_273, %parallel_loop3A_274] {strides = array<i32>} : memref<16x1024xf32, #tpu.memory_space<vmem>>, vector<1x16xf32>,
        %parallel_loop3A_276 = vector.shape_cast %parallel_loop3A_275 : vector<1x16xf32> to vector<16xf32>
        %parallel_loop3A_277 = arith.constant 11 : i32
        %parallel_loop3A_278 = arith.index_cast %parallel_loop3A_277 : i32 to index
        %parallel_loop3A_279 = arith.index_cast %parallel_loop3A_150 : i32 to index
        %parallel_loop3A_280 = tpu.vector_load %arg10[%parallel_loop3A_278, %parallel_loop3A_279] {strides = array<i32>} : memref<16x1024xf32, #tpu.memory_space<vmem>>, vector<1x16xf32>,
        %parallel_loop3A_281 = vector.shape_cast %parallel_loop3A_280 : vector<1x16xf32> to vector<16xf32>
        %parallel_loop3A_282 = vector.shape_cast %parallel_loop3A_276 : vector<16xf32> to vector<1x16xf32>
        tpu.vector_store %arg10[%parallel_loop3A_278, %parallel_loop3A_279], %parallel_loop3A_282 {add = true, strides = array<i32>} : memref<16x1024xf32, #tpu.memory_space<vmem>>, vector<1x16xf32>,
        %parallel_loop3A_283 = arith.constant 12 : i32
        %parallel_loop3A_284 = arith.index_cast %parallel_loop3A_283 : i32 to index
        %parallel_loop3A_285 = arith.index_cast %parallel_loop3A_150 : i32 to index
        %parallel_loop3A_286 = tpu.vector_load %arg12[%parallel_loop3A_284, %parallel_loop3A_285] {strides = array<i32>} : memref<16x1024xf32, #tpu.memory_space<vmem>>, vector<1x16xf32>,
        %parallel_loop3A_287 = vector.shape_cast %parallel_loop3A_286 : vector<1x16xf32> to vector<16xf32>
        %parallel_loop3A_288 = arith.constant 12 : i32
        %parallel_loop3A_289 = arith.index_cast %parallel_loop3A_288 : i32 to index
        %parallel_loop3A_290 = arith.index_cast %parallel_loop3A_150 : i32 to index
        %parallel_loop3A_291 = tpu.vector_load %arg10[%parallel_loop3A_289, %parallel_loop3A_290] {strides = array<i32>} : memref<16x1024xf32, #tpu.memory_space<vmem>>, vector<1x16xf32>,
        %parallel_loop3A_292 = vector.shape_cast %parallel_loop3A_291 : vector<1x16xf32> to vector<16xf32>
        %parallel_loop3A_293 = vector.shape_cast %parallel_loop3A_287 : vector<16xf32> to vector<1x16xf32>
        tpu.vector_store %arg10[%parallel_loop3A_289, %parallel_loop3A_290], %parallel_loop3A_293 {add = true, strides = array<i32>} : memref<16x1024xf32, #tpu.memory_space<vmem>>, vector<1x16xf32>,
        %parallel_loop3A_294 = arith.constant 13 : i32
        %parallel_loop3A_295 = arith.index_cast %parallel_loop3A_294 : i32 to index
        %parallel_loop3A_296 = arith.index_cast %parallel_loop3A_150 : i32 to index
        %parallel_loop3A_297 = tpu.vector_load %arg12[%parallel_loop3A_295, %parallel_loop3A_296] {strides = array<i32>} : memref<16x1024xf32, #tpu.memory_space<vmem>>, vector<1x16xf32>,
        %parallel_loop3A_298 = vector.shape_cast %parallel_loop3A_297 : vector<1x16xf32> to vector<16xf32>
        %parallel_loop3A_299 = arith.constant 13 : i32
        %parallel_loop3A_300 = arith.index_cast %parallel_loop3A_299 : i32 to index
        %parallel_loop3A_301 = arith.index_cast %parallel_loop3A_150 : i32 to index
        %parallel_loop3A_302 = tpu.vector_load %arg10[%parallel_loop3A_300, %parallel_loop3A_301] {strides = array<i32>} : memref<16x1024xf32, #tpu.memory_space<vmem>>, vector<1x16xf32>,
        %parallel_loop3A_303 = vector.shape_cast %parallel_loop3A_302 : vector<1x16xf32> to vector<16xf32>
        %parallel_loop3A_304 = vector.shape_cast %parallel_loop3A_298 : vector<16xf32> to vector<1x16xf32>
        tpu.vector_store %arg10[%parallel_loop3A_300, %parallel_loop3A_301], %parallel_loop3A_304 {add = true, strides = array<i32>} : memref<16x1024xf32, #tpu.memory_space<vmem>>, vector<1x16xf32>,
        %parallel_loop3A_305 = arith.constant 14 : i32
        %parallel_loop3A_306 = arith.index_cast %parallel_loop3A_305 : i32 to index
        %parallel_loop3A_307 = arith.index_cast %parallel_loop3A_150 : i32 to index
        %parallel_loop3A_308 = tpu.vector_load %arg12[%parallel_loop3A_306, %parallel_loop3A_307] {strides = array<i32>} : memref<16x1024xf32, #tpu.memory_space<vmem>>, vector<1x16xf32>,
        %parallel_loop3A_309 = vector.shape_cast %parallel_loop3A_308 : vector<1x16xf32> to vector<16xf32>
        %parallel_loop3A_310 = arith.constant 14 : i32
        %parallel_loop3A_311 = arith.index_cast %parallel_loop3A_310 : i32 to index
        %parallel_loop3A_312 = arith.index_cast %parallel_loop3A_150 : i32 to index
        %parallel_loop3A_313 = tpu.vector_load %arg10[%parallel_loop3A_311, %parallel_loop3A_312] {strides = array<i32>} : memref<16x1024xf32, #tpu.memory_space<vmem>>, vector<1x16xf32>,
        %parallel_loop3A_314 = vector.shape_cast %parallel_loop3A_313 : vector<1x16xf32> to vector<16xf32>
        %parallel_loop3A_315 = vector.shape_cast %parallel_loop3A_309 : vector<16xf32> to vector<1x16xf32>
        tpu.vector_store %arg10[%parallel_loop3A_311, %parallel_loop3A_312], %parallel_loop3A_315 {add = true, strides = array<i32>} : memref<16x1024xf32, #tpu.memory_space<vmem>>, vector<1x16xf32>,
        %parallel_loop3A_316 = arith.constant 15 : i32
        %parallel_loop3A_317 = arith.index_cast %parallel_loop3A_316 : i32 to index
        %parallel_loop3A_318 = arith.index_cast %parallel_loop3A_150 : i32 to index
        %parallel_loop3A_319 = tpu.vector_load %arg12[%parallel_loop3A_317, %parallel_loop3A_318] {strides = array<i32>} : memref<16x1024xf32, #tpu.memory_space<vmem>>, vector<1x16xf32>,
        %parallel_loop3A_320 = vector.shape_cast %parallel_loop3A_319 : vector<1x16xf32> to vector<16xf32>
        %parallel_loop3A_321 = arith.constant 15 : i32
        %parallel_loop3A_322 = arith.index_cast %parallel_loop3A_321 : i32 to index
        %parallel_loop3A_323 = arith.index_cast %parallel_loop3A_150 : i32 to index
        %parallel_loop3A_324 = tpu.vector_load %arg10[%parallel_loop3A_322, %parallel_loop3A_323] {strides = array<i32>} : memref<16x1024xf32, #tpu.memory_space<vmem>>, vector<1x16xf32>,
        %parallel_loop3A_325 = vector.shape_cast %parallel_loop3A_324 : vector<1x16xf32> to vector<16xf32>
        %parallel_loop3A_326 = vector.shape_cast %parallel_loop3A_320 : vector<16xf32> to vector<1x16xf32>
        tpu.vector_store %arg10[%parallel_loop3A_322, %parallel_loop3A_323], %parallel_loop3A_326 {add = true, strides = array<i32>} : memref<16x1024xf32, #tpu.memory_space<vmem>>, vector<1x16xf32>,
      } {sc.loop_unroll_factor = 1 : i64, sc.parallel_access}
      %add3A_133 = arith.constant 1 : i32
      %add3A_134 = arith.addi %mul3A_94, %add3A_133 : i32
      %mul3A_135 = arith.constant 16 : i32
      %mul3A_136 = arith.muli %add3A_134, %mul3A_135 : i32
      %add3A_137 = arith.addi %mul3A_32, %mul3A_136 : i32
      %dma_start3A_138 = arith.constant 0 : i32
      %dma_start3A_139 = tpu.memref_slice %arg6[%select_n3A, %add3A_137, %dma_start3A_138] : memref<4x2048x1024xf32, #tpu.memory_space<hbm>> -> memref<1x16x1024xf32, #tpu.memory_space<hbm>>
      %dma_start3A_140 = tpu.memref_squeeze %dma_start3A_139 : memref<1x16x1024xf32, #tpu.memory_space<hbm>> -> memref<16x1024xf32, #tpu.memory_space<hbm>>
      %dma_start3A_141 = arith.constant 0 : i32
      %dma_start3A_142 = tpu.memref_slice %arg6[%select_n3A, %add3A_137, %dma_start3A_141] : memref<4x2048x1024xf32, #tpu.memory_space<hbm>> -> memref<1x16x1024xf32, #tpu.memory_space<hbm>>
      %dma_start3A_143 = tpu.memref_squeeze %dma_start3A_142 : memref<1x16x1024xf32, #tpu.memory_space<hbm>> -> memref<16x1024xf32, #tpu.memory_space<hbm>>
      tpu.enqueue_dma source(%arg10 : memref<16x1024xf32, #tpu.memory_space<vmem>>) target(%dma_start3A_143 : memref<16x1024xf32, #tpu.memory_space<hbm>>) target_semaphore(%arg20 : memref<!tpu.dma_semaphore, #tpu.memory_space<semaphore_mem>>)
      %lt3A_144 = arith.constant 7 : i32
      %lt3A_145 = arith.cmpi slt, %scan3A_91, %lt3A_144 : i32
      %convert_element_type3A = arith.extui %lt3A_145 : i1 to i32
      %cond3A = arith.constant 0 : i32
      %cond3A_146 = arith.cmpi ne, %convert_element_type3A, %cond3A : i32
      scf.if %cond3A_146 {
        %dma_wait3A_148 = arith.constant 0 : i32
        %dma_wait3A_149 = arith.constant 0 : i32
        %dma_wait3A_150 = arith.constant 0 : i32
        %dma_wait3A_151 = tpu.memref_slice %arg6[%dma_wait3A_148, %dma_wait3A_149, %dma_wait3A_150] : memref<4x2048x1024xf32, #tpu.memory_space<hbm>> -> memref<1x16x1024xf32, #tpu.memory_space<hbm>>
        %dma_wait3A_152 = tpu.memref_squeeze %dma_wait3A_151 : memref<1x16x1024xf32, #tpu.memory_space<hbm>> -> memref<16x1024xf32, #tpu.memory_space<hbm>>
        %dma_wait3A_153 = arith.constant 0 : i32
        %dma_wait3A_154 = arith.constant 0 : i32
        %dma_wait3A_155 = tpu.memref_slice %arg6[%dma_wait3A_148, %dma_wait3A_153, %dma_wait3A_154] : memref<4x2048x1024xf32, #tpu.memory_space<hbm>> -> memref<1x16x1024xf32, #tpu.memory_space<hbm>>
        %dma_wait3A_156 = tpu.memref_squeeze %dma_wait3A_155 : memref<1x16x1024xf32, #tpu.memory_space<hbm>> -> memref<16x1024xf32, #tpu.memory_space<hbm>>
        tpu.wait_dma2 semaphore(%arg19 : memref<!tpu.dma_semaphore, #tpu.memory_space<semaphore_mem>>) src(%arg9 : memref<16x1024xf32, #tpu.memory_space<vmem>>) dst(%dma_wait3A_156 : memref<16x1024xf32, #tpu.memory_space<hbm>>)
        %add3A_157 = arith.constant 2 : i32
        %add3A_158 = arith.addi %mul3A_94, %add3A_157 : i32
        %mul3A_159 = arith.constant 16 : i32
        %mul3A_160 = arith.muli %add3A_158, %mul3A_159 : i32
        %dma_start3A_161 = tpu.memref_slice %arg7[%mul3A_160] : memref<256xi32, #tpu.memory_space<vmem>> -> memref<16xi32, #tpu.memory_space<vmem>>
        %dma_start3A_162 = arith.constant 0 : i32
        %dma_start3A_163 = arith.constant 0 : i32
        %dma_start3A_164 = tpu.memref_slice %arg4[%dma_start3A_162, %dma_start3A_163] : memref<100000x1024xf32, #tpu.memory_space<hbm>> -> memref<100000x1024xf32, #tpu.memory_space<hbm>>
        tpu.enqueue_indirect_dma source(%dma_start3A_164 : memref<100000x1024xf32, #tpu.memory_space<hbm>>) target(%arg9 : memref<16x1024xf32, #tpu.memory_space<vmem>>) offsets(%dma_start3A_161 : memref<16xi32, #tpu.memory_space<vmem>>) semaphore(%arg15 : memref<!tpu.dma_semaphore, #tpu.memory_space<semaphore_mem>>)
        %dma_start3A_165 = tpu.memref_slice %arg8[%mul3A_160] : memref<256xi32, #tpu.memory_space<vmem>> -> memref<16xi32, #tpu.memory_space<vmem>>
        %dma_start3A_166 = arith.constant 0 : i32
        %dma_start3A_167 = arith.constant 0 : i32
        %dma_start3A_168 = tpu.memref_slice %arg5[%dma_start3A_166, %dma_start3A_167] : memref<8192x1024xf32, #tpu.memory_space<hbm>> -> memref<8192x1024xf32, #tpu.memory_space<hbm>>
        tpu.enqueue_indirect_dma source(%dma_start3A_168 : memref<8192x1024xf32, #tpu.memory_space<hbm>>) target(%arg11 : memref<16x1024xf32, #tpu.memory_space<vmem>>) offsets(%dma_start3A_165 : memref<16xi32, #tpu.memory_space<vmem>>) semaphore(%arg17 : memref<!tpu.dma_semaphore, #tpu.memory_space<semaphore_mem>>)
        %dma_wait3A_169 = arith.constant 0 : i32
        %dma_wait3A_170 = arith.constant 0 : i32
        %dma_wait3A_171 = arith.constant 0 : i32
        %dma_wait3A_172 = tpu.memref_slice %arg6[%dma_wait3A_169, %dma_wait3A_170, %dma_wait3A_171] : memref<4x2048x1024xf32, #tpu.memory_space<hbm>> -> memref<1x16x1024xf32, #tpu.memory_space<hbm>>
        %dma_wait3A_173 = tpu.memref_squeeze %dma_wait3A_172 : memref<1x16x1024xf32, #tpu.memory_space<hbm>> -> memref<16x1024xf32, #tpu.memory_space<hbm>>
        %dma_wait3A_174 = arith.constant 0 : i32
        %dma_wait3A_175 = arith.constant 0 : i32
        %dma_wait3A_176 = tpu.memref_slice %arg6[%dma_wait3A_169, %dma_wait3A_174, %dma_wait3A_175] : memref<4x2048x1024xf32, #tpu.memory_space<hbm>> -> memref<1x16x1024xf32, #tpu.memory_space<hbm>>
        %dma_wait3A_177 = tpu.memref_squeeze %dma_wait3A_176 : memref<1x16x1024xf32, #tpu.memory_space<hbm>> -> memref<16x1024xf32, #tpu.memory_space<hbm>>
        tpu.wait_dma2 semaphore(%arg20 : memref<!tpu.dma_semaphore, #tpu.memory_space<semaphore_mem>>) src(%arg10 : memref<16x1024xf32, #tpu.memory_space<vmem>>) dst(%dma_wait3A_177 : memref<16x1024xf32, #tpu.memory_space<hbm>>)
        %add3A_178 = arith.constant 3 : i32
        %add3A_179 = arith.addi %mul3A_94, %add3A_178 : i32
        %mul3A_180 = arith.constant 16 : i32
        %mul3A_181 = arith.muli %add3A_179, %mul3A_180 : i32
        %dma_start3A_182 = tpu.memref_slice %arg7[%mul3A_181] : memref<256xi32, #tpu.memory_space<vmem>> -> memref<16xi32, #tpu.memory_space<vmem>>
        %dma_start3A_183 = arith.constant 0 : i32
        %dma_start3A_184 = arith.constant 0 : i32
        %dma_start3A_185 = tpu.memref_slice %arg4[%dma_start3A_183, %dma_start3A_184] : memref<100000x1024xf32, #tpu.memory_space<hbm>> -> memref<100000x1024xf32, #tpu.memory_space<hbm>>
        tpu.enqueue_indirect_dma source(%dma_start3A_185 : memref<100000x1024xf32, #tpu.memory_space<hbm>>) target(%arg10 : memref<16x1024xf32, #tpu.memory_space<vmem>>) offsets(%dma_start3A_182 : memref<16xi32, #tpu.memory_space<vmem>>) semaphore(%arg16 : memref<!tpu.dma_semaphore, #tpu.memory_space<semaphore_mem>>)
        %dma_start3A_186 = tpu.memref_slice %arg8[%mul3A_181] : memref<256xi32, #tpu.memory_space<vmem>> -> memref<16xi32, #tpu.memory_space<vmem>>
        %dma_start3A_187 = arith.constant 0 : i32
        %dma_start3A_188 = arith.constant 0 : i32
        %dma_start3A_189 = tpu.memref_slice %arg5[%dma_start3A_187, %dma_start3A_188] : memref<8192x1024xf32, #tpu.memory_space<hbm>> -> memref<8192x1024xf32, #tpu.memory_space<hbm>>
        tpu.enqueue_indirect_dma source(%dma_start3A_189 : memref<8192x1024xf32, #tpu.memory_space<hbm>>) target(%arg12 : memref<16x1024xf32, #tpu.memory_space<vmem>>) offsets(%dma_start3A_186 : memref<16xi32, #tpu.memory_space<vmem>>) semaphore(%arg18 : memref<!tpu.dma_semaphore, #tpu.memory_space<semaphore_mem>>)
      } else {
      }
      %scan3A_147 = arith.constant 0 : i32
      scf.yield %scan3A_147 : i32
    }
    %scan3A_72 = arith.constant 8 : i32
    %dma_wait3A_73 = arith.constant 0 : i32
    %dma_wait3A_74 = arith.constant 0 : i32
    %dma_wait3A_75 = arith.constant 0 : i32
    %dma_wait3A_76 = tpu.memref_slice %arg6[%dma_wait3A_73, %dma_wait3A_74, %dma_wait3A_75] : memref<4x2048x1024xf32, #tpu.memory_space<hbm>> -> memref<1x16x1024xf32, #tpu.memory_space<hbm>>
    %dma_wait3A_77 = tpu.memref_squeeze %dma_wait3A_76 : memref<1x16x1024xf32, #tpu.memory_space<hbm>> -> memref<16x1024xf32, #tpu.memory_space<hbm>>
    %dma_wait3A_78 = arith.constant 0 : i32
    %dma_wait3A_79 = arith.constant 0 : i32
    %dma_wait3A_80 = tpu.memref_slice %arg6[%dma_wait3A_73, %dma_wait3A_78, %dma_wait3A_79] : memref<4x2048x1024xf32, #tpu.memory_space<hbm>> -> memref<1x16x1024xf32, #tpu.memory_space<hbm>>
    %dma_wait3A_81 = tpu.memref_squeeze %dma_wait3A_80 : memref<1x16x1024xf32, #tpu.memory_space<hbm>> -> memref<16x1024xf32, #tpu.memory_space<hbm>>
    tpu.wait_dma2 semaphore(%arg19 : memref<!tpu.dma_semaphore, #tpu.memory_space<semaphore_mem>>) src(%arg9 : memref<16x1024xf32, #tpu.memory_space<vmem>>) dst(%dma_wait3A_81 : memref<16x1024xf32, #tpu.memory_space<hbm>>)
    %dma_wait3A_82 = arith.constant 0 : i32
    %dma_wait3A_83 = arith.constant 0 : i32
    %dma_wait3A_84 = arith.constant 0 : i32
    %dma_wait3A_85 = tpu.memref_slice %arg6[%dma_wait3A_82, %dma_wait3A_83, %dma_wait3A_84] : memref<4x2048x1024xf32, #tpu.memory_space<hbm>> -> memref<1x16x1024xf32, #tpu.memory_space<hbm>>
    %dma_wait3A_86 = tpu.memref_squeeze %dma_wait3A_85 : memref<1x16x1024xf32, #tpu.memory_space<hbm>> -> memref<16x1024xf32, #tpu.memory_space<hbm>>
    %dma_wait3A_87 = arith.constant 0 : i32
    %dma_wait3A_88 = arith.constant 0 : i32
    %dma_wait3A_89 = tpu.memref_slice %arg6[%dma_wait3A_82, %dma_wait3A_87, %dma_wait3A_88] : memref<4x2048x1024xf32, #tpu.memory_space<hbm>> -> memref<1x16x1024xf32, #tpu.memory_space<hbm>>
    %dma_wait3A_90 = tpu.memref_squeeze %dma_wait3A_89 : memref<1x16x1024xf32, #tpu.memory_space<hbm>> -> memref<16x1024xf32, #tpu.memory_space<hbm>>
    tpu.wait_dma2 semaphore(%arg20 : memref<!tpu.dma_semaphore, #tpu.memory_space<semaphore_mem>>) src(%arg10 : memref<16x1024xf32, #tpu.memory_space<vmem>>) dst(%dma_wait3A_90 : memref<16x1024xf32, #tpu.memory_space<hbm>>)
    return
  }
}

</mosaic_0001>

<sc_bundles>
// kernel: kernel.3.cloned.1.call-start
scs
__scs_entry_jumppad:
0x0: {  	(pc) =	sbr.rel $0x88, $3  }
0x1: {  	(tag) =	ssettag $0x0;
	lr =	simm.s32 $0x1  }
0x2: {  	[smem:$0x3F9D] =	sst lr;
	_ =	strace $0xD0000000  }
0x3: {  	_ = 	snop  }
0x4: {  	_ = 	snop  }
0x5: {  	_ = 	snop  }
0x6: {  	_ = 	snop  }
0x7: {  	_ = 	snop  }
__scs_overlays_trampoline_lowered:
0x8: {  	[smem:$0x3FAC] =	sst s0  }
0x9: {  	[smem:$0x3FAD] =	sst s1  }
0xa: {  	[smem:$0x3FAE] =	sst s2  }
0xb: {  	[smem:$0x3FAF] =	sst s3  }
0xc: {  	[smem:$0x3FB0] =	sst s4  }
0xd: {  	[smem:$0x3FB1] =	sst s5  }
0xe: {  	[smem:$0x3FB2] =	sst s6  }
0xf: {  	[smem:$0x3FB3] =	sst s7  }
0x10: {  	[smem:$0x3FB4] =	sst s8  }
0x11: {  	[smem:$0x3FB5] =	sst s9;
	s0 =	simm.s32 @!p0 $0x0  }
0x12: {  	s1 =	sld [smem:$0x3F9B];
	s0 =	simm.s32 @p0 $0x1  }
0x13: {  	[smem:$0x3FB6] =	sst s0;
	s0 =	simm.s32 @!p1 $0x0  }
0x14: {  	s2 =	sld [smem:$0x3F9A];
	s0 =	simm.s32 @p1 $0x1  }
0x15: {  	[smem:$0x3FB7] =	sst s0;
	s0 =	simm.s32 @!p2 $0x0  }
0x16: {  	s3 =	sld [smem:$0x3FDB];
	s0 =	simm.s32 @p2 $0x1  }
0x17: {  	s4 =	simm.s32 $0x1BF5;
	[smem:$0x3FB9] =	sst s0  }
0x18: {  	s0 =	sld [smem:$0x3F9C];
	_ =	swait.ge [sflag:s4], $0x0  }
0x19: {  	s7 =	sld [smem:$0x3F9D]  }
0x1a: {  	s8 =	sadd.s32 $0xFFFFE003, lr  }
0x1b: {  	s9 =	sadd.s32 $0xFFFFFEF7, lr;
	s5 =	simm.s32 $0xFFFFFFFF;
	p2 =	slt.u32 s8, $0xFFFFF086  }
0x1c: {  	p1 =	slt.u32 s9, $0xF7A;
	s5 =	simm.s32 @!p2 $0x0  }
0x1d: {  	s5 =	simm.s32 @p1 $0x1;
	p0 =	seq.s32 s7, s2  }
0x1e: {  	s7 =	smul.u32 @!p0 $0xF7A, s2;
	p2 =	seq.s32 @!p0 s5, $0x0  }
0x1f: {  	s9 =	smul.u32 $0xF7A, s1;
	s8 =	simm.s32 @!p0 $0x1BF5;
	p2 =	por !p2, p0  }
0x20: {  	[sflag:s8] =	ssyncset.s32 @!p0 $0xFFFFF086;
	s6 =	sadd.s32 @!p0 s3, s7;
	s7 =	simm.s32 @!p0 $0x108  }
0x21: {  	s3 =	sadd.s32 s3, s9;
	s6 =	sadd.s32 @!p0 $0x88, s6;
	s7 =	simm.s32 @p2 $0x1082  }
0x22: {  	[simem:s7], [sflag:s8] =	dma.local @!p0 [hbm:s6], $0xF7A  }
0x23: {  	s9 =	sor.u32 $0xD0000000, s2;
	s6 =	simm.s32 $0x108;
	_ =	swait.ge @!p0 [sflag:s8], $0x0  }
0x24: {  	s3 =	sadd.s32 $0x88, s3;
	s6 =	simm.s32 @!p1 $0x1082;
	[sflag:s4] =	ssyncset.s32 $0xFFFFF086  }
0x25: {  	[simem:s6], [sflag:s4] =	dma.local [hbm:s3], $0xF7A  }
0x26: {  	[smem:$0x3F9D] =	sst s1;
	(tag) =	ssettag s2;
	_ =	strace s9  }
0x27: {  	s1 =	sld [smem:$0x3FAD]  }
0x28: {  	s2 =	sld [smem:$0x3FAE]  }
0x29: {  	s4 =	sld [smem:$0x3FB0]  }
0x2a: {  	p0 =	seq.s32 s5, $0x0;
	s5 =	sld [smem:$0x3FB1]  }
0x2b: {  	s6 =	sld [smem:$0x3FB2]  }
0x2c: {  	s7 =	sld [smem:$0x3FB3]  }
0x2d: {  	s3 =	simm.s32 $0x108;
	s8 =	sld [smem:$0x3FB4]  }
0x2e: {  	s3 =	simm.s32 @!p0 $0x1082;
	s9 =	sld [smem:$0x3FB5]  }
0x2f: {  	lr =	sadd.s32 s0, s3;
	s0 =	sld [smem:$0x3FAC]  }
0x30: {  	s3 =	sld [smem:$0x3FAF]  }
0x31: {  	[smem:$0x3FB8] =	sst s10  }
0x32: {  	s10 =	sld [smem:$0x3FB6];
	_ =	sdelay $0x3  }
0x33: {  	p0 =	seq.s32 s10, $0x1;
	s10 =	sld [smem:$0x3FB8];
	_ =	sdelay $0x3  }
0x34: {  	[smem:$0x3FB8] =	sst s10  }
0x35: {  	s10 =	sld [smem:$0x3FB7];
	_ =	sdelay $0x3  }
0x36: {  	p1 =	seq.s32 s10, $0x1;
	s10 =	sld [smem:$0x3FB8];
	_ =	sdelay $0x3  }
0x37: {  	[smem:$0x3FB8] =	sst s10  }
0x38: {  	s10 =	sld [smem:$0x3FB9]  }
0x39: {  	_ = 	snop;
	(pc) =	sbr.ind lr, $3  }
0x3a: {  	_ = 	snop  }
0x3b: {  	_ = 	snop  }
0x3c: {  	p2 =	seq.s32 s10, $0x1;
	s10 =	sld [smem:$0x3FB8]  }
0x3d: {  	_ =	shalt  }
0x3e: {  	_ =	shalt  }
0x3f: {  	_ =	shalt  }
0x40: {  	_ =	shalt  }
0x41: {  	_ =	shalt  }
0x42: {  	_ =	shalt  }
0x43: {  	_ =	shalt  }
0x44: {  	_ =	shalt  }
0x45: {  	_ =	shalt  }
0x46: {  	_ =	shalt  }
0x47: {  	_ =	shalt  }
0x48: {  	_ =	shalt  }
0x49: {  	_ =	shalt  }
0x4a: {  	_ =	shalt  }
0x4b: {  	_ =	shalt  }
0x4c: {  	_ =	shalt  }
0x4d: {  	_ =	shalt  }
0x4e: {  	_ =	shalt  }
0x4f: {  	_ =	shalt  }
0x50: {  	_ =	shalt  }
0x51: {  	_ =	shalt  }
0x52: {  	_ =	shalt  }
0x53: {  	_ =	shalt  }
0x54: {  	_ =	shalt  }
0x55: {  	_ =	shalt  }
0x56: {  	_ =	shalt  }
0x57: {  	_ =	shalt  }
0x58: {  	_ =	shalt  }
0x59: {  	_ =	shalt  }
0x5a: {  	_ =	shalt  }
0x5b: {  	_ =	shalt  }
0x5c: {  	_ =	shalt  }
0x5d: {  	_ =	shalt  }
0x5e: {  	_ =	shalt  }
0x5f: {  	_ =	shalt  }
0x60: {  	_ =	shalt  }
0x61: {  	_ =	shalt  }
0x62: {  	_ =	shalt  }
0x63: {  	_ =	shalt  }
0x64: {  	_ =	shalt  }
0x65: {  	_ =	shalt  }
0x66: {  	_ =	shalt  }
0x67: {  	_ =	shalt  }
0x68: {  	_ =	shalt  }
0x69: {  	_ =	shalt  }
0x6a: {  	_ =	shalt  }
0x6b: {  	_ =	shalt  }
0x6c: {  	_ =	shalt  }
0x6d: {  	_ =	shalt  }
0x6e: {  	_ =	shalt  }
0x6f: {  	_ =	shalt  }
0x70: {  	_ =	shalt  }
0x71: {  	_ =	shalt  }
0x72: {  	_ =	shalt  }
0x73: {  	_ =	shalt  }
0x74: {  	_ =	shalt  }
0x75: {  	_ =	shalt  }
0x76: {  	_ =	shalt  }
0x77: {  	_ =	shalt  }
0x78: {  	_ =	shalt  }
0x79: {  	_ =	shalt  }
0x7a: {  	_ =	shalt  }
0x7b: {  	_ =	shalt  }
0x7c: {  	_ =	shalt  }
0x7d: {  	_ =	shalt  }
0x7e: {  	_ =	shalt  }
0x7f: {  	_ =	shalt  }
0x80: {  	_ =	shalt  }
0x81: {  	_ =	shalt  }
0x82: {  	_ =	shalt  }
0x83: {  	_ =	shalt  }
0x84: {  	_ =	shalt  }
0x85: {  	_ =	shalt  }
0x86: {  	_ =	shalt  }
0x87: {  	_ =	shalt  }
.Lfunc_end0:
.L_simem_size_0:
called_computation_lowered:
.L_overlay_start_0:
0x88: {  	s2 =	sld [smem:$0x3FD9]  }
0x89: {  	s3 =	sld [smem:$0x3FFE];
	_ =	sdelay $0x1  }
0x8a: {  	s1 =	srdreg.scid  }
0x8b: {  	s0 =	sand.u32 $0x1, s1  }
0x8c: {  	s18 =	sshll.u32 s0, $0xA;
	s2 =	sadd.s32 s3, s2  }
0x8d: {  	s2 =	sadd.s32 s2, s18  }
0x8e: {  	[smem:$0x3FC4] =	sst s2  }
0x8f: {  	_ = 	snop  }
0x90: {  	s2 =	sld [smem:$0x3FC9]  }
0x91: {  	s19 =	sld [smem:$0x3FC8]  }
0x92: {  	s4 =	sld [smem:$0x3FC7]  }
0x93: {  	s5 =	sld [smem:$0x3FC6]  }
0x94: {  	s6 =	sld [smem:$0x3FD0];
	(tm) =	ssettm $0x1  }
0x95: {  	s7 =	sld [smem:$0x3FFB];
	_ =	sdelay $0x3  }
0x96: {  	_ =	strace s7  }
0x97: {  	s7 =	sld [smem:$0x3FFC];
	_ =	sdelay $0x3  }
0x98: {  	_ =	strace s7  }
0x99: {  	s7 =	sld [smem:$0x3FFD];
	_ =	sdelay $0x3  }
0x9a: {  	_ =	strace s7  }
0x9b: {  	_ =	strace $0x8FFFFFFF  }
0x9c: {  	s20 =	sld [smem:$0x3FDB];
	_ =	sdelay $0x1  }
0x9d: {  	s8 =	simm.s32 $_scs_section_size  }
0x9e: {  	s9 =	simm.s32 $_size__tile_overlayer_lowered;
	s10 =	simm.s32 $_tile_overlayer_lowered  }
0x9f: {  	s23 =	simm.s32 $0x1BFF;
	s22 =	sshll.u32 s10, $0x1;
	s7 =	sadd.s32 s8, s20  }
0xa0: {  	s11 =	simm.s32 $0x0;
	s21 =	sshll.u32 s9, $0x1;
	s9 =	sadd.s32 s22, s7  }
0xa1: {  	[timem:s11], [sflag:s23] =	dma.local [hbm:s9], s21  }
0xa2: {  	_ =	swait.ge [sflag:s23], s21  }
0xa3: {  	s8 =	ssub.s32 $0x0, s21;
	[sflag:s23] =	ssyncset.done $0x0  }
0xa4: {  	[sflag:s23] =	ssyncadd.s32 s8;
	_ =	sdelay $0x1  }
0xa5: {  	s24 =	simm.s32 $0x1B8B  }
0xa6: {  	_ =	swait.ge [sflag:s24], $0x1  }
0xa7: {  	[sflag:s24] =	ssyncset.done $0x0  }
0xa8: {  	s25 =	simm.s32 $0x1B8E;
	[sflag:s24] =	ssyncadd.s32 $0xFFFFFFFF  }
0xa9: {  	s26 =	simm.s32 $execute0_lowered;
	[smem:$0x3FD2] =	sst s25  }
0xaa: {  	s8 =	sshll.u32 s26, $0x1;
	_ =	strace $0x80000046;
	[dreg:$0x1] =	wrdreg $0xFFFFFFFF  }
0xab: {  	s28 =	simm.s32 $_size_execute0_lowered;
	s7 =	sadd.s32 s7, s8;
	[dreg:$0x0] =	wrdreg $0x0  }
0xac: {  	s8 =	sshll.u32 s28, $0x1;
	[dreg:$0x2] =	wrdreg s7  }
0xad: {  	[dreg:$0x3] =	wrdreg s8  }
0xae: {  	[dreg:$0x4] =	wrdreg $0xC0  }
0xaf: {  	_ =	task [dreg:s11], $0x5FFFF  }
0xb0: {  	[dreg:$0x1] =	wrdreg $0xFFFFFFFF  }
0xb1: {  	[dreg:$0x0] =	wrdreg $0x60  }
0xb2: {  	[dreg:$0x2] =	wrdreg s2  }
0xb3: {  	[dreg:$0x3] =	wrdreg s19  }
0xb4: {  	[dreg:$0x4] =	wrdreg s4  }
0xb5: {  	[dreg:$0x5] =	wrdreg s5  }
0xb6: {  	[dreg:$0x6] =	wrdreg s6  }
0xb7: {  	[dreg:$0x7] =	wrdreg $0x9  }
0xb8: {  	_ =	task.clear_ibuf [dreg:s11], $0x8FFFF;
	_ =	strace $0x90000046  }
0xb9: {  	s29 =	simm.s32 $0x9;
	_ =	strace $0x80000048  }
0xba: {  	_ =	swait.ge [sflag:s29], $0x1  }
0xbb: {  	[sflag:s29] =	ssyncadd.s32 $0xFFFFFFFF  }
0xbc: {  	_ =	strace $0x90000048  }
0xbd: {  	_ =	sfence  }
0xbe: {  	s30 =	sld [smem:$0x0];
	_ =	sdelay $0x2  }
0xbf: {  	s31 =	sshll.u32 s1, $0xD;
	s1 =	sshrl.u32 s1, $0x2  }
0xc0: {  	s3 =	sand.u32 $0x4000, s31;
	s1 =	sadd.s32 s1, s30  }
0xc1: {  	s0 =	sor.u32 s3, s0;
	s1 =	sshll.u32 s1, $0x11  }
0xc2: {  	s0 =	sor.u32 s1, s0  }
0xc3: {  	s0 =	sadd.s32 $0x8F2B, s0  }
0xc4: {  	[sflag:s0] =	ssyncadd.remote.s32 $0x1  }
0xc5: {  	_ =	sfence.sel $0xFFFF  }
0xc6: {  	[dreg:$0x0] =	wrdreg $0xFFFFFFFF;
	(pc) =	sbr.abs _section_cstart, $3  }
0xc7: {  	[dreg:$0x1] =	wrdreg $0xFFFFFFFF  }
0xc8: {  	_ =	task.clear_ibuf [dreg:s11], $0x2FFFF;
	_ =	strace $0x9FFFFFFF  }
0xc9: {  	(tm) =	ssettm $0x7FFFFFFF  }
tec
execute0_lowered:
.L_overlay_start_1:
0x0: {  	(tag) =	ssettag $0x1  }
0x1: {  	s0 =	rddreg [dreg:$0x0]  }
0x2: {  	s1 =	rddreg [dreg:$0x1]  }
0x3: {  	s2 =	rddreg [dreg:$0x2]  }
0x4: {  	s3 =	rddreg [dreg:$0x3]  }
0x5: {  	s14 =	rddreg [dreg:$0x4]  }
0x6: {  	s4 =	stileid.u32;
	s6 =	srdreg.scid  }
0x7: {  	s5 =	simm.s32 $0x0;
	s18 =	simm.s32 $0x200;
	s16 =	simm.s32 $0x4200  }
0x8: {  	s17 =	simm.s32 $0x3;
	s20 =	simm.s32 $0x4;
	s21 =	simm.s32 $0x6  }
0x9: {  	s22 =	simm.s32 $0x7;
	s23 =	simm.s32 $0x8;
	s7 =	sshll.u32 s4, $0x1  }
0xa: {  	s6 =	sand.u32 $0x1, s6;
	[smem:$0x7FF] =	sst s5;
	s12 =	sshrl.u32 s4, $0x2  }
0xb: {  	s11 =	sadd.s32 $0x100, s3;
	s13 =	sadd.s32 $0x300, s3;
	s7 =	sand.u32 $0x6, s7  }
0xc: {  	s9 =	sshll.u32 s12, $0x4;
	_ =	strace $0x80000047;
	s7 =	sor.u32 s6, s7  }
0xd: {  	s30 =	sshll.u32 s12, $0x15;
	s6 =	ssub.s32 $0x2, s6;
	s8 =	sshll.u32 s7, $0x7  }
0xe: {  	s12 =	sadd.s32 $0x200, s3;
	s10 =	sshrl.u32 s6, $0x1;
	s8 =	sor.u32 s9, s8  }
0xf: {  	s7 =	sshll.u32 s7, $0x12;
	s6 =	ssub.s32 s6, s10;
	s0 =	sadd.s32 s0, s8  }
.Ltmp0:
0x10: {  	s29 =	sadd.s32 s1, s8;
	[dreg:$0x6] =	wrdreg s0;
	(pc) =	sbr.rel .LBB2_1-.Ltmp0, $4  }
0x11: {  	s9 =	sadd.s32 $0x200, s2;
	s31 =	smax.u32 s6, $0x1;
	[dreg:$0x7] =	wrdreg s29  }
0x12: {  	v2 =	vlaneseq.u32;
	s10 =	sadd.s32 $0x300, s2;
	s0 =	sor.u32 s30, s7;
	[dreg:$0xa] =	wrdreg s31  }
0x13: {  	vm0 =	vmmov $0xffff;
	v1 =	vshrl.u32 v2, $0x3;
	s8 =	sadd.s32 $0x100, s2;
	[dreg:$0x8] =	wrdreg s0;
	s0 =	sor.u32 $0x4000, s0  }
0x14: {  	v0 =	vand.u32 $0x7, v2;
	v2 =	vor.u32 $0x8, v2;
	v1 =	vmul.u32 $0x8, v1;
	s1 =	simm.s32 $0x0;
	s7 =	simm.s32 $0x5;
	[dreg:$0x9] =	wrdreg s0  }
.LBB2_8:
0x15: {  	_ =	swait.ge [sflag:s22], $0x4000  }
0x16: {  	[sflag:s22] =	ssyncset.done $0x0  }
0x17: {  	[sflag:s22] =	ssyncadd.s32 $0xFFFFC000  }
0x18: {  	_ =	swait.ge [sflag:s23], $0x4000  }
0x19: {  	s1 =	rddreg [dreg:$0xb]  }
0x1a: {  	s0 =	rddreg [dreg:$0xa];
	s1 =	sadd.s32 $0x1, s1  }
0x1b: {  	p0 =	sne.s32 s1, s0  }
.Ltmp1:
0x1c: {  	_ = 	snop;
	(pc) =	sbr.rel @!p0 .LBB2_9-.Ltmp1, $3  }
0x1d: {  	_ =	sdelay $0x1  }
0x1e: {  	[sflag:s23] =	ssyncset.done $0x0  }
0x1f: {  	[sflag:s23] =	ssyncadd.s32 $0xFFFFC000  }
.LBB2_1:
0x20: {  	[dreg:$0xb] =	wrdreg s1  }
0x21: {  	s0 =	rddreg [dreg:$0x6];
	s6 =	simm.s32 $0x80  }
0x22: {  	[tilespmem:s5], [sflag:$0x1] =	stream.strided.gather [hbm4b:s0+s6], $0x100, s18, s6, $0x38;
	[tilespmem:$0x10200] =	vst v63  }
0x23: {  	s15 =	rddreg [dreg:$0x7];
	s4 =	simm.s32 $0x100;
	s19 =	simm.s32 $0x1  }
0x24: {  	[tilespmem:s4], [sflag:$0x2] =	stream.strided.gather [hbm4b:s15+s6], $0x100, s18, s6, $0x38;
	[tilespmem:$0x10200] =	vst v63  }
0x25: {  	_ =	swait.ge [sflag:s19], $0x100  }
0x26: {  	[sflag:s19] =	ssyncset.done $0x0  }
0x27: {  	s24 =	simm.s32 $0x2;
	[sflag:s19] =	ssyncadd.s32 $0xFFFFFF00  }
0x28: {  	_ =	swait.ge [sflag:s24], $0x100  }
0x29: {  	[sflag:s24] =	ssyncset.done $0x0  }
0x2a: {  	[sflag:s24] =	ssyncadd.s32 $0xFFFFFF00  }
0x2b: {  	v3 =	vld [tilespmem:$0x0];
	_ =	sdelay $0x4  }
0x2c: {  	v4 =	vshll.u32 v3, $0x3  }
0x2d: {  	v3 =	vand.u32 $0x7, v3;
	v4 =	vand.u32 $0xFFFFFFC0, v4  }
0x2e: {  	v3 =	vor.u32 v3, v4  }
0x2f: {  	v4 =	vperm.xlane v3, v0;
	_ =	sdelay $0x1  }
0x30: {  	v4 =	vadd.s32 v1, v4;
	_ =	sdelay $0x4  }
0x31: {  	[tilespmem:s18], [sflag:$0x3] =	stream.indirect_vreg.gather [hbm4b:s2+s5], $0x80, v4, vm0, $0xb8;
	[tilespmem:$0x10200] =	vst v63  }
0x32: {  	s25 =	simm.s32 $0xA00;
	v3 =	vperm.xlane v3, v2  }
0x33: {  	[tilespmem:s25], [sflag:$0x3] =	stream.indirect_vreg.gather [hbm4b:s8+s5], $0x80, v4, vm0, $0xb8;
	[tilespmem:$0x10200] =	vst v63  }
0x34: {  	s26 =	simm.s32 $0x1200;
	v3 =	vadd.s32 v1, v3  }
0x35: {  	[tilespmem:s26], [sflag:$0x3] =	stream.indirect_vreg.gather [hbm4b:s9+s5], $0x80, v4, vm0, $0xb8;
	[tilespmem:$0x10200] =	vst v63  }
0x36: {  	s28 =	simm.s32 $0x1A00  }
0x37: {  	[tilespmem:s28], [sflag:$0x3] =	stream.indirect_vreg.gather [hbm4b:s10+s5], $0x80, v4, vm0, $0xb8;
	[tilespmem:$0x10200] =	vst v63  }
0x38: {  	s29 =	simm.s32 $0x2200  }
0x39: {  	[tilespmem:s29], [sflag:$0x3] =	stream.indirect_vreg.gather [hbm4b:s2+s5], $0x80, v3, vm0, $0xb8;
	[tilespmem:$0x10200] =	vst v63  }
0x3a: {  	s30 =	simm.s32 $0x2A00  }
0x3b: {  	[tilespmem:s30], [sflag:$0x3] =	stream.indirect_vreg.gather [hbm4b:s8+s5], $0x80, v3, vm0, $0xb8;
	[tilespmem:$0x10200] =	vst v63  }
0x3c: {  	s31 =	simm.s32 $0x3200  }
0x3d: {  	[tilespmem:s31], [sflag:$0x3] =	stream.indirect_vreg.gather [hbm4b:s9+s5], $0x80, v3, vm0, $0xb8;
	[tilespmem:$0x10200] =	vst v63  }
0x3e: {  	s1 =	simm.s32 $0x3A00  }
0x3f: {  	[tilespmem:s1], [sflag:$0x3] =	stream.indirect_vreg.gather [hbm4b:s10+s5], $0x80, v3, vm0, $0xb8;
	[tilespmem:$0x10200] =	vst v63  }
0x40: {  	v3 =	vld [tilespmem:$0x100];
	_ =	sdelay $0x4  }
0x41: {  	v61 =	vshll.u32 v3, $0x3  }
0x42: {  	v3 =	vand.u32 $0x7, v3;
	v4 =	vand.u32 $0xFFFFFFC0, v61  }
0x43: {  	v3 =	vor.u32 v3, v4  }
0x44: {  	v4 =	vperm.xlane v3, v0;
	_ =	sdelay $0x1  }
0x45: {  	v4 =	vadd.s32 v1, v4;
	_ =	sdelay $0x3  }
0x46: {  	s4 =	simm.s32 $0x8200  }
0x47: {  	[tilespmem:s4], [sflag:$0x5] =	stream.indirect_vreg.gather [hbm4b:s3+s5], $0x80, v4, vm0, $0xb8;
	[tilespmem:$0x10200] =	vst v63  }
0x48: {  	s6 =	simm.s32 $0x8A00;
	v3 =	vperm.xlane v3, v2  }
0x49: {  	[tilespmem:s6], [sflag:$0x5] =	stream.indirect_vreg.gather [hbm4b:s11+s5], $0x80, v4, vm0, $0xb8;
	[tilespmem:$0x10200] =	vst v63  }
0x4a: {  	s15 =	simm.s32 $0x9200;
	v3 =	vadd.s32 v1, v3  }
0x4b: {  	[tilespmem:s15], [sflag:$0x5] =	stream.indirect_vreg.gather [hbm4b:s12+s5], $0x80, v4, vm0, $0xb8;
	[tilespmem:$0x10200] =	vst v63  }
0x4c: {  	s19 =	simm.s32 $0x9A00  }
0x4d: {  	[tilespmem:s19], [sflag:$0x5] =	stream.indirect_vreg.gather [hbm4b:s13+s5], $0x80, v4, vm0, $0xb8;
	[tilespmem:$0x10200] =	vst v63  }
0x4e: {  	s24 =	simm.s32 $0xA200  }
0x4f: {  	[tilespmem:s24], [sflag:$0x5] =	stream.indirect_vreg.gather [hbm4b:s3+s5], $0x80, v3, vm0, $0xb8;
	[tilespmem:$0x10200] =	vst v63  }
0x50: {  	s25 =	simm.s32 $0xAA00  }
0x51: {  	[tilespmem:s25], [sflag:$0x5] =	stream.indirect_vreg.gather [hbm4b:s11+s5], $0x80, v3, vm0, $0xb8;
	[tilespmem:$0x10200] =	vst v63  }
0x52: {  	s26 =	simm.s32 $0xB200  }
0x53: {  	[tilespmem:s26], [sflag:$0x5] =	stream.indirect_vreg.gather [hbm4b:s12+s5], $0x80, v3, vm0, $0xb8;
	[tilespmem:$0x10200] =	vst v63  }
0x54: {  	s28 =	simm.s32 $0xBA00  }
0x55: {  	[tilespmem:s28], [sflag:$0x5] =	stream.indirect_vreg.gather [hbm4b:s13+s5], $0x80, v3, vm0, $0xb8;
	[tilespmem:$0x10200] =	vst v63  }
0x56: {  	v3 =	vld [tilespmem:$0x10];
	_ =	sdelay $0x4  }
0x57: {  	v62 =	vshll.u32 v3, $0x3  }
0x58: {  	v3 =	vand.u32 $0x7, v3;
	v4 =	vand.u32 $0xFFFFFFC0, v62  }
0x59: {  	v3 =	vor.u32 v3, v4  }
0x5a: {  	v4 =	vperm.xlane v3, v0;
	_ =	sdelay $0x1  }
0x5b: {  	v4 =	vadd.s32 v1, v4;
	_ =	sdelay $0x4  }
0x5c: {  	[tilespmem:s16], [sflag:$0x4] =	stream.indirect_vreg.gather [hbm4b:s2+s5], $0x80, v4, vm0, $0xb8;
	[tilespmem:$0x10200] =	vst v63  }
0x5d: {  	s29 =	simm.s32 $0x4A00;
	v3 =	vperm.xlane v3, v2  }
0x5e: {  	[tilespmem:s29], [sflag:$0x4] =	stream.indirect_vreg.gather [hbm4b:s8+s5], $0x80, v4, vm0, $0xb8;
	[tilespmem:$0x10200] =	vst v63  }
0x5f: {  	s30 =	simm.s32 $0x5200;
	v3 =	vadd.s32 v1, v3  }
0x60: {  	[tilespmem:s30], [sflag:$0x4] =	stream.indirect_vreg.gather [hbm4b:s9+s5], $0x80, v4, vm0, $0xb8;
	[tilespmem:$0x10200] =	vst v63  }
0x61: {  	s31 =	simm.s32 $0x5A00  }
0x62: {  	[tilespmem:s31], [sflag:$0x4] =	stream.indirect_vreg.gather [hbm4b:s10+s5], $0x80, v4, vm0, $0xb8;
	[tilespmem:$0x10200] =	vst v63  }
0x63: {  	s1 =	simm.s32 $0x6200  }
0x64: {  	[tilespmem:s1], [sflag:$0x4] =	stream.indirect_vreg.gather [hbm4b:s2+s5], $0x80, v3, vm0, $0xb8;
	[tilespmem:$0x10200] =	vst v63  }
0x65: {  	s4 =	simm.s32 $0x6A00  }
0x66: {  	[tilespmem:s4], [sflag:$0x4] =	stream.indirect_vreg.gather [hbm4b:s8+s5], $0x80, v3, vm0, $0xb8;
	[tilespmem:$0x10200] =	vst v63  }
0x67: {  	s6 =	simm.s32 $0x7200  }
0x68: {  	[tilespmem:s6], [sflag:$0x4] =	stream.indirect_vreg.gather [hbm4b:s9+s5], $0x80, v3, vm0, $0xb8;
	[tilespmem:$0x10200] =	vst v63  }
0x69: {  	s15 =	simm.s32 $0x7A00  }
0x6a: {  	[tilespmem:s15], [sflag:$0x4] =	stream.indirect_vreg.gather [hbm4b:s10+s5], $0x80, v3, vm0, $0xb8;
	[tilespmem:$0x10200] =	vst v63  }
0x6b: {  	v3 =	vld [tilespmem:$0x110];
	_ =	sdelay $0x4  }
0x6c: {  	v63 =	vshll.u32 v3, $0x3  }
0x6d: {  	v3 =	vand.u32 $0x7, v3;
	v4 =	vand.u32 $0xFFFFFFC0, v63  }
0x6e: {  	v3 =	vor.u32 v3, v4  }
0x6f: {  	v4 =	vperm.xlane v3, v0;
	_ =	sdelay $0x1  }
0x70: {  	v4 =	vadd.s32 v1, v4;
	_ =	sdelay $0x3  }
0x71: {  	s19 =	simm.s32 $0xC200  }
0x72: {  	[tilespmem:s19], [sflag:$0x6] =	stream.indirect_vreg.gather [hbm4b:s3+s5], $0x80, v4, vm0, $0xb8;
	[tilespmem:$0x10200] =	vst v63  }
0x73: {  	s24 =	simm.s32 $0xCA00;
	v3 =	vperm.xlane v3, v2  }
0x74: {  	[tilespmem:s24], [sflag:$0x6] =	stream.indirect_vreg.gather [hbm4b:s11+s5], $0x80, v4, vm0, $0xb8;
	[tilespmem:$0x10200] =	vst v63  }
0x75: {  	s25 =	simm.s32 $0xD200;
	v3 =	vadd.s32 v1, v3  }
0x76: {  	[tilespmem:s25], [sflag:$0x6] =	stream.indirect_vreg.gather [hbm4b:s12+s5], $0x80, v4, vm0, $0xb8;
	[tilespmem:$0x10200] =	vst v63  }
0x77: {  	s26 =	simm.s32 $0xDA00  }
0x78: {  	[tilespmem:s26], [sflag:$0x6] =	stream.indirect_vreg.gather [hbm4b:s13+s5], $0x80, v4, vm0, $0xb8;
	[tilespmem:$0x10200] =	vst v63  }
0x79: {  	s28 =	simm.s32 $0xE200  }
0x7a: {  	[tilespmem:s28], [sflag:$0x6] =	stream.indirect_vreg.gather [hbm4b:s3+s5], $0x80, v3, vm0, $0xb8;
	[tilespmem:$0x10200] =	vst v63  }
0x7b: {  	s29 =	simm.s32 $0xEA00  }
0x7c: {  	[tilespmem:s29], [sflag:$0x6] =	stream.indirect_vreg.gather [hbm4b:s11+s5], $0x80, v3, vm0, $0xb8;
	[tilespmem:$0x10200] =	vst v63  }
0x7d: {  	s30 =	simm.s32 $0xF200  }
0x7e: {  	[tilespmem:s30], [sflag:$0x6] =	stream.indirect_vreg.gather [hbm4b:s12+s5], $0x80, v3, vm0, $0xb8;
	[tilespmem:$0x10200] =	vst v63  }
0x7f: {  	s31 =	simm.s32 $0xFA00;
	s24 =	simm.s32 $0x0  }
0x80: {  	[tilespmem:s31], [sflag:$0x6] =	stream.indirect_vreg.gather [hbm4b:s13+s5], $0x80, v3, vm0, $0xb8;
	[tilespmem:$0x10200] =	vst v63  }
.LBB2_2:
0x81: {  	_ =	swait.ge [sflag:s17], $0x4000  }
0x82: {  	[sflag:s17] =	ssyncset.done $0x0  }
0x83: {  	[sflag:s17] =	ssyncadd.s32 $0xFFFFC000  }
0x84: {  	s0 =	simm.s32 $0x0;
	_ =	swait.ge [sflag:s7], $0x4000  }
0x85: {  	s1 =	sand.u32 $0x70, s0;
	s6 =	sand.u32 $0x1C00, s0;
	[sflag:s7] =	ssyncset.done $0x0  }
0x86: {  	s25 =	sor.u32 s1, s6;
	[sflag:s7] =	ssyncadd.s32 $0xFFFFC000  }
0x87: {  	v3 =	vld [tilespmem:s25+$0x8200];
	_ =	sdelay $0x3  }
0x88: {  	s1 =	sor.u32 $0x200, s25  }
0x89: {  	[tilespmem:s1+$0x0] =	vst.add.f32.msk $0xffff, v3  }
0x8a: {  	v3 =	vld [tilespmem:s25+$0x8280];
	_ =	sdelay $0x3  }
0x8b: {  	s4 =	sor.u32 $0x280, s25  }
0x8c: {  	[tilespmem:s4+$0x0] =	vst.add.f32.msk $0xffff, v3  }
0x8d: {  	v3 =	vld [tilespmem:s25+$0x8300];
	_ =	sdelay $0x3  }
0x8e: {  	s6 =	sor.u32 $0x300, s25  }
0x8f: {  	[tilespmem:s6+$0x0] =	vst.add.f32.msk $0xffff, v3  }
0x90: {  	v3 =	vld [tilespmem:s25+$0x8380];
	_ =	sdelay $0x3  }
0x91: {  	s15 =	sor.u32 $0x380, s25  }
0x92: {  	[tilespmem:s15+$0x0] =	vst.add.f32.msk $0xffff, v3  }
0x93: {  	v3 =	vld [tilespmem:s25+$0x8400]  }
0x94: {  	s1 =	simm.s32 $0x10;
	s6 =	simm.s32 $0x80;
	v4 =	vld [tilespmem:s25+$0x8480]  }
0x95: {  	s19 =	sand.u32 $0x70, s1;
	s26 =	sand.u32 $0x1C00, s6;
	v5 =	vld [tilespmem:s25+$0x8500]  }
0x96: {  	s26 =	sor.u32 s19, s26  }
0x97: {  	v6 =	vld [tilespmem:s26+$0x8200]  }
0x98: {  	[tilespmem:s25+$0x400] =	vst.add.f32.msk $0xffff, v3  }
0x99: {  	s28 =	sor.u32 s0, s0;
	[tilespmem:s25+$0x480] =	vst.add.f32.msk $0xffff, v4  }
0x9a: {  	s0 =	sor.u32 $0x380, s28;
	[tilespmem:s25+$0x500] =	vst.add.f32.msk $0xffff, v5  }
0x9b: {  	s19 =	sor.u32 $0x200, s26;
	v3 =	vld [tilespmem:s0+$0x8200]  }
0x9c: {  	[tilespmem:s19+$0x0] =	vst.add.f32.msk $0xffff, v6  }
0x9d: {  	v4 =	vld [tilespmem:s26+$0x8280];
	_ =	sdelay $0x2  }
0x9e: {  	[tilespmem:s0+$0x200] =	vst.add.f32.msk $0xffff, v3  }
0x9f: {  	s19 =	sor.u32 $0x280, s26;
	v3 =	vld [tilespmem:s25+$0xA200]  }
0xa0: {  	s30 =	simm.s32 $0x20;
	s31 =	simm.s32 $0x100;
	[tilespmem:s19+$0x0] =	vst.add.f32.msk $0xffff, v4  }
0xa1: {  	s4 =	sand.u32 $0x70, s30;
	s15 =	sand.u32 $0x1C00, s31;
	v4 =	vld [tilespmem:s26+$0x8300]  }
0xa2: {  	s29 =	sor.u32 s4, s15  }
0xa3: {  	v5 =	vld [tilespmem:s29+$0x8200];
	s19 =	sor.u32 $0x2200, s25  }
0xa4: {  	[tilespmem:s19+$0x0] =	vst.add.f32.msk $0xffff, v3  }
0xa5: {  	s4 =	sor.u32 $0x300, s26;
	v6 =	vld [tilespmem:s25+$0xA280]  }
0xa6: {  	[tilespmem:s4+$0x0] =	vst.add.f32.msk $0xffff, v4  }
0xa7: {  	s15 =	sor.u32 $0x200, s29;
	v4 =	vld [tilespmem:s26+$0x8380]  }
0xa8: {  	[tilespmem:s15+$0x0] =	vst.add.f32.msk $0xffff, v5  }
0xa9: {  	v3 =	vld [tilespmem:s29+$0x8280];
	s19 =	sor.u32 $0x2280, s25  }
0xaa: {  	[tilespmem:s19+$0x0] =	vst.add.f32.msk $0xffff, v6  }
0xab: {  	s4 =	sor.u32 $0x380, s26;
	v5 =	vld [tilespmem:s25+$0xA300]  }
0xac: {  	[tilespmem:s4+$0x0] =	vst.add.f32.msk $0xffff, v4  }
0xad: {  	v4 =	vld [tilespmem:s26+$0x8400]  }
0xae: {  	v6 =	vld [tilespmem:s26+$0x8480]  }
0xaf: {  	s15 =	sor.u32 $0x2300, s25;
	v7 =	vld [tilespmem:s26+$0x8500]  }
0xb0: {  	[tilespmem:s15+$0x0] =	vst.add.f32.msk $0xffff, v5  }
0xb1: {  	v5 =	vld [tilespmem:s25+$0xA380]  }
0xb2: {  	[tilespmem:s26+$0x400] =	vst.add.f32.msk $0xffff, v4  }
0xb3: {  	s0 =	sor.u32 s1, s6;
	[tilespmem:s26+$0x480] =	vst.add.f32.msk $0xffff, v6  }
0xb4: {  	s1 =	sor.u32 $0x380, s0;
	[tilespmem:s26+$0x500] =	vst.add.f32.msk $0xffff, v7  }
0xb5: {  	s19 =	sor.u32 $0x2380, s25;
	v7 =	vld [tilespmem:s1+$0x8200]  }
0xb6: {  	[tilespmem:s19+$0x0] =	vst.add.f32.msk $0xffff, v5  }
0xb7: {  	v6 =	vld [tilespmem:s25+$0xA400]  }
0xb8: {  	v5 =	vld [tilespmem:s25+$0xA480]  }
0xb9: {  	v4 =	vld [tilespmem:s25+$0xA500]  }
0xba: {  	[tilespmem:s1+$0x200] =	vst.add.f32.msk $0xffff, v7  }
0xbb: {  	s1 =	simm.s32 $0x100;
	s19 =	simm.s32 $0x30;
	v7 =	vld [tilespmem:s26+$0xA200]  }
.LBB2_3:
0xbc: {  	p0 =	sne.s32 s19, $0x3F0;
	[tilespmem:s25+$0x2400] =	vst.add.f32.msk $0xffff, v6  }
0xbd: {  	[tilespmem:s25+$0x2480] =	vst.add.f32.msk $0xffff, v5  }
0xbe: {  	s6 =	sor.u32 $0x2380, s28;
	[tilespmem:s25+$0x2500] =	vst.add.f32.msk $0xffff, v4;
	s25 =	smov.u32 s26;
	s26 =	smov.u32 s29  }
0xbf: {  	s31 =	sadd.s32 $0x80, s31;
	s28 =	smov.u32 s0;
	s29 =	sor.u32 $0x280, s26;
	v4 =	vld [tilespmem:s6+$0x8200]  }
0xc0: {  	s0 =	sand.u32 $0x70, s19;
	s4 =	sand.u32 $0x1C00, s31;
	[tilespmem:s29+$0x0] =	vst.add.f32.msk $0xffff, v3  }
0xc1: {  	s29 =	sor.u32 s0, s4;
	v3 =	vld [tilespmem:s26+$0x8300]  }
0xc2: {  	s0 =	sor.u32 $0x2200, s25;
	v5 =	vld [tilespmem:s29+$0x8200]  }
0xc3: {  	[tilespmem:s0+$0x0] =	vst.add.f32.msk $0xffff, v7  }
0xc4: {  	[tilespmem:s6+$0x200] =	vst.add.f32.msk $0xffff, v4  }
0xc5: {  	s0 =	sor.u32 $0x300, s26;
	v4 =	vld [tilespmem:s25+$0xA280]  }
0xc6: {  	[tilespmem:s0+$0x0] =	vst.add.f32.msk $0xffff, v3  }
0xc7: {  	s0 =	sor.u32 $0x200, s29;
	v6 =	vld [tilespmem:s26+$0x8380]  }
0xc8: {  	[tilespmem:s0+$0x0] =	vst.add.f32.msk $0xffff, v5  }
0xc9: {  	s0 =	sor.u32 $0x2280, s25;
	v3 =	vld [tilespmem:s29+$0x8280]  }
0xca: {  	[tilespmem:s0+$0x0] =	vst.add.f32.msk $0xffff, v4  }
0xcb: {  	s0 =	sor.u32 $0x380, s26;
	v4 =	vld [tilespmem:s25+$0xA300]  }
0xcc: {  	[tilespmem:s0+$0x0] =	vst.add.f32.msk $0xffff, v6  }
0xcd: {  	v5 =	vld [tilespmem:s26+$0x8400]  }
0xce: {  	v6 =	vld [tilespmem:s26+$0x8480]  }
0xcf: {  	s0 =	sor.u32 $0x2300, s25;
	v7 =	vld [tilespmem:s26+$0x8500]  }
0xd0: {  	[tilespmem:s0+$0x0] =	vst.add.f32.msk $0xffff, v4  }
0xd1: {  	v4 =	vld [tilespmem:s25+$0xA380]  }
0xd2: {  	[tilespmem:s26+$0x400] =	vst.add.f32.msk $0xffff, v5  }
0xd3: {  	s0 =	sor.u32 s30, s1;
	s1 =	smov.u32 s31;
	s30 =	smov.u32 s19;
	[tilespmem:s26+$0x480] =	vst.add.f32.msk $0xffff, v6  }
0xd4: {  	s4 =	sor.u32 $0x380, s0;
	[tilespmem:s26+$0x500] =	vst.add.f32.msk $0xffff, v7  }
0xd5: {  	s6 =	sor.u32 $0x2380, s25;
	v7 =	vld [tilespmem:s4+$0x8200]  }
0xd6: {  	[tilespmem:s6+$0x0] =	vst.add.f32.msk $0xffff, v4  }
.Ltmp2:
0xd7: {  	v6 =	vld [tilespmem:s25+$0xA400];
	(pc) =	sbr.rel @p0 .LBB2_3-.Ltmp2, $4  }
0xd8: {  	v5 =	vld [tilespmem:s25+$0xA480]  }
0xd9: {  	v4 =	vld [tilespmem:s25+$0xA500]  }
0xda: {  	[tilespmem:s4+$0x200] =	vst.add.f32.msk $0xffff, v7  }
0xdb: {  	s19 =	sadd.s32 $0x10, s19;
	v7 =	vld [tilespmem:s26+$0xA200]  }
0xdc: {  	s4 =	sor.u32 $0x280, s29  }
0xdd: {  	[tilespmem:s4+$0x0] =	vst.add.f32.msk $0xffff, v3  }
0xde: {  	v3 =	vld [tilespmem:s29+$0x8300];
	_ =	sdelay $0x3  }
0xdf: {  	s19 =	sor.u32 $0x300, s29  }
0xe0: {  	[tilespmem:s19+$0x0] =	vst.add.f32.msk $0xffff, v3  }
0xe1: {  	v3 =	vld [tilespmem:s29+$0x8380];
	_ =	sdelay $0x3  }
0xe2: {  	s6 =	sor.u32 $0x380, s29  }
0xe3: {  	[tilespmem:s6+$0x0] =	vst.add.f32.msk $0xffff, v3  }
0xe4: {  	v3 =	vld [tilespmem:s29+$0x8400]  }
0xe5: {  	v8 =	vld [tilespmem:s29+$0x8480]  }
0xe6: {  	v9 =	vld [tilespmem:s29+$0x8500];
	_ =	sdelay $0x2  }
0xe7: {  	[tilespmem:s29+$0x400] =	vst.add.f32.msk $0xffff, v3  }
0xe8: {  	s1 =	sor.u32 s30, s1;
	[tilespmem:s29+$0x480] =	vst.add.f32.msk $0xffff, v8  }
0xe9: {  	s15 =	sor.u32 $0x380, s1;
	[tilespmem:s29+$0x500] =	vst.add.f32.msk $0xffff, v9  }
0xea: {  	v3 =	vld [tilespmem:s15+$0x8200]  }
0xeb: {  	s6 =	sor.u32 $0x2200, s26  }
0xec: {  	[tilespmem:s6+$0x0] =	vst.add.f32.msk $0xffff, v7  }
0xed: {  	v7 =	vld [tilespmem:s26+$0xA280];
	_ =	sdelay $0x1  }
0xee: {  	[tilespmem:s15+$0x200] =	vst.add.f32.msk $0xffff, v3  }
0xef: {  	v3 =	vld [tilespmem:s29+$0xA200]  }
0xf0: {  	s19 =	sor.u32 $0x2280, s26  }
0xf1: {  	[tilespmem:s19+$0x0] =	vst.add.f32.msk $0xffff, v7  }
0xf2: {  	v7 =	vld [tilespmem:s26+$0xA300]  }
0xf3: {  	s6 =	sor.u32 $0x2200, s29  }
0xf4: {  	[tilespmem:s6+$0x0] =	vst.add.f32.msk $0xffff, v3  }
0xf5: {  	v3 =	vld [tilespmem:s29+$0xA280]  }
0xf6: {  	[tilespmem:s25+$0x2400] =	vst.add.f32.msk $0xffff, v6;
	s15 =	sor.u32 $0x2300, s26  }
0xf7: {  	[tilespmem:s15+$0x0] =	vst.add.f32.msk $0xffff, v7  }
0xf8: {  	v6 =	vld [tilespmem:s26+$0xA380]  }
0xf9: {  	[tilespmem:s25+$0x2480] =	vst.add.f32.msk $0xffff, v5;
	s19 =	sor.u32 $0x2280, s29  }
0xfa: {  	[tilespmem:s19+$0x0] =	vst.add.f32.msk $0xffff, v3  }
0xfb: {  	v3 =	vld [tilespmem:s29+$0xA300]  }
0xfc: {  	[tilespmem:s25+$0x2500] =	vst.add.f32.msk $0xffff, v4;
	s6 =	sor.u32 $0x2380, s26  }
0xfd: {  	[tilespmem:s6+$0x0] =	vst.add.f32.msk $0xffff, v6  }
0xfe: {  	v4 =	vld [tilespmem:s26+$0xA400]  }
0xff: {  	s15 =	sor.u32 $0x2300, s29;
	v5 =	vld [tilespmem:s26+$0xA480]  }
0x100: {  	[tilespmem:s15+$0x0] =	vst.add.f32.msk $0xffff, v3  }
0x101: {  	v3 =	vld [tilespmem:s29+$0xA380]  }
0x102: {  	v7 =	vld [tilespmem:s26+$0xA500];
	s19 =	sor.u32 $0x2380, s28  }
0x103: {  	v6 =	vld [tilespmem:s19+$0x8200]  }
0x104: {  	[tilespmem:s26+$0x2400] =	vst.add.f32.msk $0xffff, v4  }
0x105: {  	s25 =	sor.u32 $0x2380, s29;
	[tilespmem:s26+$0x2480] =	vst.add.f32.msk $0xffff, v5  }
0x106: {  	[tilespmem:s25+$0x0] =	vst.add.f32.msk $0xffff, v3  }
0x107: {  	v3 =	vld [tilespmem:s29+$0xA400]  }
0x108: {  	v4 =	vld [tilespmem:s29+$0xA480]  }
0x109: {  	v5 =	vld [tilespmem:s29+$0xA500]  }
0x10a: {  	s0 =	sor.u32 $0x2380, s0;
	[tilespmem:s26+$0x2500] =	vst.add.f32.msk $0xffff, v7  }
0x10b: {  	v7 =	vld [tilespmem:s0+$0x8200]  }
0x10c: {  	[tilespmem:s29+$0x2400] =	vst.add.f32.msk $0xffff, v3  }
0x10d: {  	[tilespmem:s29+$0x2480] =	vst.add.f32.msk $0xffff, v4  }
0x10e: {  	s1 =	sor.u32 $0x2380, s1;
	[tilespmem:s29+$0x2500] =	vst.add.f32.msk $0xffff, v5  }
0x10f: {  	v3 =	vld [tilespmem:s1+$0x8200]  }
0x110: {  	[tilespmem:s19+$0x200] =	vst.add.f32.msk $0xffff, v6  }
0x111: {  	s25 =	sshll.u32 s24, $0xF;
	s4 =	rddreg [dreg:$0x8]  }
0x112: {  	s4 =	sor.u32 s25, s4  }
0x113: {  	[tilespmem:s0+$0x200] =	vst.add.f32.msk $0xffff, v7;
	s4 =	sshrl.u32 s4, $0x3  }
0x114: {  	s0 =	sadd.s32 s14, s4;
	[tilespmem:s1+$0x200] =	vst.add.f32.msk $0xffff, v3;
	s1 =	simm.s32 $0x0  }
0x115: {  	[hbm4b:s0+s1] =	stream.linear.scatter [tilespmem:s18], [sflag:$0x7], $0x4000, $0x38;
	[tilespmem:$0x10200] =	vst v63  }
0x116: {  	_ =	swait.ge [sflag:s20], $0x4000  }
0x117: {  	[sflag:s20] =	ssyncset.done $0x0  }
0x118: {  	[sflag:s20] =	ssyncadd.s32 $0xFFFFC000  }
0x119: {  	s15 =	smov.u32 s14;
	_ =	swait.ge [sflag:s21], $0x4000  }
0x11a: {  	s6 =	sand.u32 $0x70, s1;
	s14 =	sand.u32 $0x1C00, s1;
	[sflag:s21] =	ssyncset.done $0x0  }
0x11b: {  	s26 =	sor.u32 s6, s14;
	[sflag:s21] =	ssyncadd.s32 $0xFFFFC000  }
0x11c: {  	v3 =	vld [tilespmem:s26+$0xC200];
	_ =	sdelay $0x3  }
0x11d: {  	s0 =	sor.u32 $0x4200, s26  }
0x11e: {  	[tilespmem:s0+$0x0] =	vst.add.f32.msk $0xffff, v3  }
0x11f: {  	v3 =	vld [tilespmem:s26+$0xC280];
	_ =	sdelay $0x3  }
0x120: {  	s19 =	sor.u32 $0x4280, s26  }
0x121: {  	[tilespmem:s19+$0x0] =	vst.add.f32.msk $0xffff, v3  }
0x122: {  	v3 =	vld [tilespmem:s26+$0xC300];
	_ =	sdelay $0x3  }
0x123: {  	s4 =	sor.u32 $0x4300, s26  }
0x124: {  	[tilespmem:s4+$0x0] =	vst.add.f32.msk $0xffff, v3  }
0x125: {  	v3 =	vld [tilespmem:s26+$0xC380];
	_ =	sdelay $0x3  }
0x126: {  	s6 =	sor.u32 $0x4380, s26  }
0x127: {  	[tilespmem:s6+$0x0] =	vst.add.f32.msk $0xffff, v3  }
0x128: {  	v3 =	vld [tilespmem:s26+$0xC400]  }
0x129: {  	s4 =	simm.s32 $0x10;
	s6 =	simm.s32 $0x80;
	v4 =	vld [tilespmem:s26+$0xC480]  }
0x12a: {  	s14 =	sand.u32 $0x70, s4;
	s19 =	sand.u32 $0x1C00, s6;
	v5 =	vld [tilespmem:s26+$0xC500]  }
0x12b: {  	s28 =	sor.u32 s14, s19  }
0x12c: {  	v6 =	vld [tilespmem:s28+$0xC200]  }
0x12d: {  	[tilespmem:s26+$0x4400] =	vst.add.f32.msk $0xffff, v3  }
0x12e: {  	s29 =	sor.u32 s1, s1;
	[tilespmem:s26+$0x4480] =	vst.add.f32.msk $0xffff, v4  }
0x12f: {  	s14 =	sor.u32 $0x380, s29;
	[tilespmem:s26+$0x4500] =	vst.add.f32.msk $0xffff, v5  }
0x130: {  	s19 =	sor.u32 $0x4200, s28;
	v3 =	vld [tilespmem:s14+$0xC200]  }
0x131: {  	[tilespmem:s19+$0x0] =	vst.add.f32.msk $0xffff, v6  }
0x132: {  	v4 =	vld [tilespmem:s28+$0xC280];
	_ =	sdelay $0x2  }
0x133: {  	[tilespmem:s14+$0x4200] =	vst.add.f32.msk $0xffff, v3  }
0x134: {  	s14 =	sor.u32 $0x4280, s28;
	v3 =	vld [tilespmem:s26+$0xE200]  }
0x135: {  	s31 =	simm.s32 $0x20;
	s0 =	simm.s32 $0x100;
	[tilespmem:s14+$0x0] =	vst.add.f32.msk $0xffff, v4  }
0x136: {  	s19 =	sand.u32 $0x70, s31;
	s14 =	sand.u32 $0x1C00, s0;
	v4 =	vld [tilespmem:s28+$0xC300]  }
0x137: {  	s30 =	sor.u32 s19, s14  }
0x138: {  	s19 =	sor.u32 $0x6200, s26;
	v5 =	vld [tilespmem:s30+$0xC200]  }
0x139: {  	[tilespmem:s19+$0x0] =	vst.add.f32.msk $0xffff, v3  }
0x13a: {  	s14 =	sor.u32 $0x4300, s28;
	v6 =	vld [tilespmem:s26+$0xE280]  }
0x13b: {  	[tilespmem:s14+$0x0] =	vst.add.f32.msk $0xffff, v4  }
0x13c: {  	s19 =	sor.u32 $0x4200, s30;
	v4 =	vld [tilespmem:s28+$0xC380]  }
0x13d: {  	[tilespmem:s19+$0x0] =	vst.add.f32.msk $0xffff, v5  }
0x13e: {  	s14 =	sor.u32 $0x6280, s26;
	v3 =	vld [tilespmem:s30+$0xC280]  }
0x13f: {  	[tilespmem:s14+$0x0] =	vst.add.f32.msk $0xffff, v6  }
0x140: {  	s19 =	sor.u32 $0x4380, s28;
	v5 =	vld [tilespmem:s26+$0xE300]  }
0x141: {  	[tilespmem:s19+$0x0] =	vst.add.f32.msk $0xffff, v4  }
0x142: {  	v4 =	vld [tilespmem:s28+$0xC400]  }
0x143: {  	v6 =	vld [tilespmem:s28+$0xC480]  }
0x144: {  	s14 =	sor.u32 $0x6300, s26;
	v7 =	vld [tilespmem:s28+$0xC500]  }
0x145: {  	[tilespmem:s14+$0x0] =	vst.add.f32.msk $0xffff, v5  }
0x146: {  	v5 =	vld [tilespmem:s26+$0xE380]  }
0x147: {  	[tilespmem:s28+$0x4400] =	vst.add.f32.msk $0xffff, v4  }
0x148: {  	s1 =	sor.u32 s4, s6;
	[tilespmem:s28+$0x4480] =	vst.add.f32.msk $0xffff, v6  }
0x149: {  	s4 =	sor.u32 $0x380, s1;
	[tilespmem:s28+$0x4500] =	vst.add.f32.msk $0xffff, v7  }
0x14a: {  	s19 =	sor.u32 $0x6380, s26;
	v7 =	vld [tilespmem:s4+$0xC200]  }
0x14b: {  	[tilespmem:s19+$0x0] =	vst.add.f32.msk $0xffff, v5  }
0x14c: {  	v6 =	vld [tilespmem:s26+$0xE400]  }
0x14d: {  	v5 =	vld [tilespmem:s26+$0xE480]  }
0x14e: {  	v4 =	vld [tilespmem:s26+$0xE500]  }
0x14f: {  	[tilespmem:s4+$0x4200] =	vst.add.f32.msk $0xffff, v7  }
0x150: {  	s6 =	simm.s32 $0x30;
	s19 =	simm.s32 $0x100;
	v7 =	vld [tilespmem:s28+$0xE200]  }
.LBB2_5:
0x151: {  	p0 =	sne.s32 s6, $0x3F0;
	[tilespmem:s26+$0x6400] =	vst.add.f32.msk $0xffff, v6  }
0x152: {  	[tilespmem:s26+$0x6480] =	vst.add.f32.msk $0xffff, v5  }
0x153: {  	s4 =	sor.u32 $0x2380, s29;
	[tilespmem:s26+$0x6500] =	vst.add.f32.msk $0xffff, v4;
	s26 =	smov.u32 s28;
	s28 =	smov.u32 s30  }
0x154: {  	s0 =	sadd.s32 $0x80, s0;
	s29 =	smov.u32 s1;
	s30 =	sor.u32 $0x4280, s28;
	v4 =	vld [tilespmem:s4+$0xC200]  }
0x155: {  	s1 =	sand.u32 $0x70, s6;
	s14 =	sand.u32 $0x1C00, s0;
	[tilespmem:s30+$0x0] =	vst.add.f32.msk $0xffff, v3  }
0x156: {  	s30 =	sor.u32 s1, s14;
	v3 =	vld [tilespmem:s28+$0xC300]  }
0x157: {  	s1 =	sor.u32 $0x6200, s26;
	v5 =	vld [tilespmem:s30+$0xC200]  }
0x158: {  	[tilespmem:s1+$0x0] =	vst.add.f32.msk $0xffff, v7  }
0x159: {  	[tilespmem:s4+$0x4200] =	vst.add.f32.msk $0xffff, v4  }
0x15a: {  	s1 =	sor.u32 $0x4300, s28;
	v4 =	vld [tilespmem:s26+$0xE280]  }
0x15b: {  	[tilespmem:s1+$0x0] =	vst.add.f32.msk $0xffff, v3  }
0x15c: {  	s1 =	sor.u32 $0x4200, s30;
	v6 =	vld [tilespmem:s28+$0xC380]  }
0x15d: {  	[tilespmem:s1+$0x0] =	vst.add.f32.msk $0xffff, v5  }
0x15e: {  	s1 =	sor.u32 $0x6280, s26;
	v3 =	vld [tilespmem:s30+$0xC280]  }
0x15f: {  	[tilespmem:s1+$0x0] =	vst.add.f32.msk $0xffff, v4  }
0x160: {  	s1 =	sor.u32 $0x4380, s28;
	v4 =	vld [tilespmem:s26+$0xE300]  }
0x161: {  	[tilespmem:s1+$0x0] =	vst.add.f32.msk $0xffff, v6  }
0x162: {  	v5 =	vld [tilespmem:s28+$0xC400]  }
0x163: {  	v6 =	vld [tilespmem:s28+$0xC480]  }
0x164: {  	s1 =	sor.u32 $0x6300, s26;
	v7 =	vld [tilespmem:s28+$0xC500]  }
0x165: {  	[tilespmem:s1+$0x0] =	vst.add.f32.msk $0xffff, v4  }
0x166: {  	v4 =	vld [tilespmem:s26+$0xE380]  }
0x167: {  	[tilespmem:s28+$0x4400] =	vst.add.f32.msk $0xffff, v5  }
0x168: {  	s1 =	sor.u32 s31, s19;
	s19 =	smov.u32 s0;
	s31 =	smov.u32 s6;
	[tilespmem:s28+$0x4480] =	vst.add.f32.msk $0xffff, v6  }
0x169: {  	s4 =	sor.u32 $0x380, s1;
	[tilespmem:s28+$0x4500] =	vst.add.f32.msk $0xffff, v7  }
0x16a: {  	s14 =	sor.u32 $0x6380, s26;
	v7 =	vld [tilespmem:s4+$0xC200]  }
0x16b: {  	[tilespmem:s14+$0x0] =	vst.add.f32.msk $0xffff, v4  }
.Ltmp3:
0x16c: {  	v6 =	vld [tilespmem:s26+$0xE400];
	(pc) =	sbr.rel @p0 .LBB2_5-.Ltmp3, $4  }
0x16d: {  	v5 =	vld [tilespmem:s26+$0xE480]  }
0x16e: {  	v4 =	vld [tilespmem:s26+$0xE500]  }
0x16f: {  	[tilespmem:s4+$0x4200] =	vst.add.f32.msk $0xffff, v7  }
0x170: {  	s6 =	sadd.s32 $0x10, s6;
	v7 =	vld [tilespmem:s28+$0xE200]  }
0x171: {  	s0 =	sor.u32 $0x4280, s30  }
0x172: {  	[tilespmem:s0+$0x0] =	vst.add.f32.msk $0xffff, v3  }
0x173: {  	v3 =	vld [tilespmem:s30+$0xC300];
	_ =	sdelay $0x3  }
0x174: {  	s4 =	sor.u32 $0x4300, s30  }
0x175: {  	[tilespmem:s4+$0x0] =	vst.add.f32.msk $0xffff, v3  }
0x176: {  	v3 =	vld [tilespmem:s30+$0xC380];
	_ =	sdelay $0x3  }
0x177: {  	s6 =	sor.u32 $0x4380, s30  }
0x178: {  	[tilespmem:s6+$0x0] =	vst.add.f32.msk $0xffff, v3  }
0x179: {  	v3 =	vld [tilespmem:s30+$0xC400]  }
0x17a: {  	v8 =	vld [tilespmem:s30+$0xC480]  }
0x17b: {  	v9 =	vld [tilespmem:s30+$0xC500];
	_ =	sdelay $0x2  }
0x17c: {  	[tilespmem:s30+$0x4400] =	vst.add.f32.msk $0xffff, v3  }
0x17d: {  	s0 =	sor.u32 s31, s19;
	[tilespmem:s30+$0x4480] =	vst.add.f32.msk $0xffff, v8  }
0x17e: {  	s4 =	sor.u32 $0x380, s0;
	[tilespmem:s30+$0x4500] =	vst.add.f32.msk $0xffff, v9  }
0x17f: {  	v3 =	vld [tilespmem:s4+$0xC200]  }
0x180: {  	s6 =	sor.u32 $0x6200, s28  }
0x181: {  	[tilespmem:s6+$0x0] =	vst.add.f32.msk $0xffff, v7  }
0x182: {  	v7 =	vld [tilespmem:s28+$0xE280];
	_ =	sdelay $0x1  }
0x183: {  	[tilespmem:s4+$0x4200] =	vst.add.f32.msk $0xffff, v3  }
0x184: {  	v3 =	vld [tilespmem:s30+$0xE200]  }
0x185: {  	s14 =	sor.u32 $0x6280, s28  }
0x186: {  	[tilespmem:s14+$0x0] =	vst.add.f32.msk $0xffff, v7  }
0x187: {  	v7 =	vld [tilespmem:s28+$0xE300]  }
0x188: {  	s19 =	sor.u32 $0x6200, s30  }
0x189: {  	[tilespmem:s19+$0x0] =	vst.add.f32.msk $0xffff, v3  }
0x18a: {  	v3 =	vld [tilespmem:s30+$0xE280]  }
0x18b: {  	[tilespmem:s26+$0x6400] =	vst.add.f32.msk $0xffff, v6;
	s31 =	sor.u32 $0x6300, s28  }
0x18c: {  	[tilespmem:s31+$0x0] =	vst.add.f32.msk $0xffff, v7  }
0x18d: {  	v58 =	vld [tilespmem:s28+$0xE380]  }
0x18e: {  	[tilespmem:s26+$0x6480] =	vst.add.f32.msk $0xffff, v5;
	s6 =	sor.u32 $0x6280, s30  }
0x18f: {  	[tilespmem:s6+$0x0] =	vst.add.f32.msk $0xffff, v3  }
0x190: {  	v3 =	vld [tilespmem:s30+$0xE300]  }
0x191: {  	[tilespmem:s26+$0x6500] =	vst.add.f32.msk $0xffff, v4;
	s14 =	sor.u32 $0x6380, s28  }
0x192: {  	[tilespmem:s14+$0x0] =	vst.add.f32.msk $0xffff, v58  }
0x193: {  	v59 =	vld [tilespmem:s28+$0xE400]  }
0x194: {  	s19 =	sor.u32 $0x6300, s30;
	v60 =	vld [tilespmem:s28+$0xE480]  }
0x195: {  	[tilespmem:s19+$0x0] =	vst.add.f32.msk $0xffff, v3  }
0x196: {  	s26 =	sor.u32 $0x2380, s29;
	v3 =	vld [tilespmem:s30+$0xE380]  }
0x197: {  	v61 =	vld [tilespmem:s26+$0xC200]  }
0x198: {  	v7 =	vld [tilespmem:s28+$0xE500]  }
0x199: {  	[tilespmem:s28+$0x6400] =	vst.add.f32.msk $0xffff, v59  }
0x19a: {  	s29 =	sor.u32 $0x6380, s30;
	[tilespmem:s28+$0x6480] =	vst.add.f32.msk $0xffff, v60  }
0x19b: {  	[tilespmem:s29+$0x0] =	vst.add.f32.msk $0xffff, v3  }
0x19c: {  	v3 =	vld [tilespmem:s30+$0xE400]  }
0x19d: {  	v62 =	vld [tilespmem:s30+$0xE480]  }
0x19e: {  	v63 =	vld [tilespmem:s30+$0xE500]  }
0x19f: {  	s1 =	sor.u32 $0x2380, s1;
	[tilespmem:s28+$0x6500] =	vst.add.f32.msk $0xffff, v7  }
0x1a0: {  	v7 =	vld [tilespmem:s1+$0xC200]  }
0x1a1: {  	[tilespmem:s30+$0x6400] =	vst.add.f32.msk $0xffff, v3  }
0x1a2: {  	[tilespmem:s30+$0x6480] =	vst.add.f32.msk $0xffff, v62  }
0x1a3: {  	s0 =	sor.u32 $0x2380, s0;
	[tilespmem:s30+$0x6500] =	vst.add.f32.msk $0xffff, v63  }
0x1a4: {  	v3 =	vld [tilespmem:s0+$0xC200]  }
0x1a5: {  	p0 =	seq.s32 s24, $0x7;
	[tilespmem:s26+$0x4200] =	vst.add.f32.msk $0xffff, v61  }
.Ltmp4:
0x1a6: {  	s4 =	rddreg [dreg:$0x9];
	(pc) =	sbr.rel @p0 .LBB2_8-.Ltmp4, $4  }
0x1a7: {  	s4 =	sor.u32 s25, s4  }
0x1a8: {  	[tilespmem:s1+$0x4200] =	vst.add.f32.msk $0xffff, v7;
	s30 =	sshrl.u32 s4, $0x3  }
0x1a9: {  	s14 =	smov.u32 s15;
	s31 =	sadd.s32 s15, s30;
	[tilespmem:s0+$0x4200] =	vst.add.f32.msk $0xffff, v3  }
0x1aa: {  	[hbm4b:s31+s5] =	stream.linear.scatter [tilespmem:s16], [sflag:$0x8], $0x4000, $0x38;
	[tilespmem:$0x10200] =	vst v63  }
0x1ab: {  	_ =	swait.ge [sflag:s22], $0x4000  }
0x1ac: {  	[sflag:s22] =	ssyncset.done $0x0  }
0x1ad: {  	s0 =	sshll.u32 s24, $0x5;
	[sflag:s22] =	ssyncadd.s32 $0xFFFFC000  }
0x1ae: {  	v3 =	vld [tilespmem:s0+$0x20];
	_ =	sdelay $0x4  }
0x1af: {  	v4 =	vshll.u32 v3, $0x3  }
0x1b0: {  	v3 =	vand.u32 $0x7, v3;
	v4 =	vand.u32 $0xFFFFFFC0, v4  }
0x1b1: {  	v3 =	vor.u32 v3, v4  }
0x1b2: {  	v4 =	vperm.xlane v3, v0;
	_ =	sdelay $0x1  }
0x1b3: {  	v4 =	vadd.s32 v1, v4;
	_ =	sdelay $0x4  }
0x1b4: {  	[tilespmem:s18], [sflag:$0x3] =	stream.indirect_vreg.gather [hbm4b:s2+s5], $0x80, v4, vm0, $0xb8;
	[tilespmem:$0x10200] =	vst v63  }
0x1b5: {  	s1 =	simm.s32 $0xA00;
	v3 =	vperm.xlane v3, v2  }
0x1b6: {  	[tilespmem:s1], [sflag:$0x3] =	stream.indirect_vreg.gather [hbm4b:s8+s5], $0x80, v4, vm0, $0xb8;
	[tilespmem:$0x10200] =	vst v63  }
0x1b7: {  	s6 =	simm.s32 $0x1200;
	v3 =	vadd.s32 v1, v3  }
0x1b8: {  	[tilespmem:s6], [sflag:$0x3] =	stream.indirect_vreg.gather [hbm4b:s9+s5], $0x80, v4, vm0, $0xb8;
	[tilespmem:$0x10200] =	vst v63  }
0x1b9: {  	s15 =	simm.s32 $0x1A00  }
0x1ba: {  	[tilespmem:s15], [sflag:$0x3] =	stream.indirect_vreg.gather [hbm4b:s10+s5], $0x80, v4, vm0, $0xb8;
	[tilespmem:$0x10200] =	vst v63  }
0x1bb: {  	s19 =	simm.s32 $0x2200  }
0x1bc: {  	[tilespmem:s19], [sflag:$0x3] =	stream.indirect_vreg.gather [hbm4b:s2+s5], $0x80, v3, vm0, $0xb8;
	[tilespmem:$0x10200] =	vst v63  }
0x1bd: {  	s25 =	simm.s32 $0x2A00  }
0x1be: {  	[tilespmem:s25], [sflag:$0x3] =	stream.indirect_vreg.gather [hbm4b:s8+s5], $0x80, v3, vm0, $0xb8;
	[tilespmem:$0x10200] =	vst v63  }
0x1bf: {  	s26 =	simm.s32 $0x3200  }
0x1c0: {  	[tilespmem:s26], [sflag:$0x3] =	stream.indirect_vreg.gather [hbm4b:s9+s5], $0x80, v3, vm0, $0xb8;
	[tilespmem:$0x10200] =	vst v63  }
0x1c1: {  	s28 =	simm.s32 $0x3A00  }
0x1c2: {  	[tilespmem:s28], [sflag:$0x3] =	stream.indirect_vreg.gather [hbm4b:s10+s5], $0x80, v3, vm0, $0xb8;
	[tilespmem:$0x10200] =	vst v63  }
0x1c3: {  	v3 =	vld [tilespmem:s0+$0x120];
	_ =	sdelay $0x4  }
0x1c4: {  	v61 =	vshll.u32 v3, $0x3  }
0x1c5: {  	v3 =	vand.u32 $0x7, v3;
	v4 =	vand.u32 $0xFFFFFFC0, v61  }
0x1c6: {  	v3 =	vor.u32 v3, v4  }
0x1c7: {  	v4 =	vperm.xlane v3, v0;
	_ =	sdelay $0x1  }
0x1c8: {  	v4 =	vadd.s32 v1, v4;
	_ =	sdelay $0x3  }
0x1c9: {  	s29 =	simm.s32 $0x8200  }
0x1ca: {  	[tilespmem:s29], [sflag:$0x5] =	stream.indirect_vreg.gather [hbm4b:s3+s5], $0x80, v4, vm0, $0xb8;
	[tilespmem:$0x10200] =	vst v63  }
0x1cb: {  	s30 =	simm.s32 $0x8A00;
	v3 =	vperm.xlane v3, v2  }
0x1cc: {  	[tilespmem:s30], [sflag:$0x5] =	stream.indirect_vreg.gather [hbm4b:s11+s5], $0x80, v4, vm0, $0xb8;
	[tilespmem:$0x10200] =	vst v63  }
0x1cd: {  	s31 =	simm.s32 $0x9200;
	v3 =	vadd.s32 v1, v3  }
0x1ce: {  	[tilespmem:s31], [sflag:$0x5] =	stream.indirect_vreg.gather [hbm4b:s12+s5], $0x80, v4, vm0, $0xb8;
	[tilespmem:$0x10200] =	vst v63  }
0x1cf: {  	s4 =	simm.s32 $0x9A00  }
0x1d0: {  	[tilespmem:s4], [sflag:$0x5] =	stream.indirect_vreg.gather [hbm4b:s13+s5], $0x80, v4, vm0, $0xb8;
	[tilespmem:$0x10200] =	vst v63  }
0x1d1: {  	s6 =	simm.s32 $0xA200  }
0x1d2: {  	[tilespmem:s6], [sflag:$0x5] =	stream.indirect_vreg.gather [hbm4b:s3+s5], $0x80, v3, vm0, $0xb8;
	[tilespmem:$0x10200] =	vst v63  }
0x1d3: {  	s15 =	simm.s32 $0xAA00  }
0x1d4: {  	[tilespmem:s15], [sflag:$0x5] =	stream.indirect_vreg.gather [hbm4b:s11+s5], $0x80, v3, vm0, $0xb8;
	[tilespmem:$0x10200] =	vst v63  }
0x1d5: {  	s19 =	simm.s32 $0xB200  }
0x1d6: {  	[tilespmem:s19], [sflag:$0x5] =	stream.indirect_vreg.gather [hbm4b:s12+s5], $0x80, v3, vm0, $0xb8;
	[tilespmem:$0x10200] =	vst v63  }
0x1d7: {  	s25 =	simm.s32 $0xBA00  }
0x1d8: {  	[tilespmem:s25], [sflag:$0x5] =	stream.indirect_vreg.gather [hbm4b:s13+s5], $0x80, v3, vm0, $0xb8;
	[tilespmem:$0x10200] =	vst v63  }
0x1d9: {  	_ =	swait.ge [sflag:s23], $0x4000  }
0x1da: {  	[sflag:s23] =	ssyncset.done $0x0  }
0x1db: {  	[sflag:s23] =	ssyncadd.s32 $0xFFFFC000  }
0x1dc: {  	v3 =	vld [tilespmem:s0+$0x30];
	_ =	sdelay $0x4  }
0x1dd: {  	v62 =	vshll.u32 v3, $0x3  }
0x1de: {  	v3 =	vand.u32 $0x7, v3;
	v4 =	vand.u32 $0xFFFFFFC0, v62  }
0x1df: {  	v3 =	vor.u32 v3, v4  }
0x1e0: {  	v4 =	vperm.xlane v3, v0;
	_ =	sdelay $0x1  }
0x1e1: {  	v4 =	vadd.s32 v1, v4;
	_ =	sdelay $0x4  }
0x1e2: {  	[tilespmem:s16], [sflag:$0x4] =	stream.indirect_vreg.gather [hbm4b:s2+s5], $0x80, v4, vm0, $0xb8;
	[tilespmem:$0x10200] =	vst v63  }
0x1e3: {  	s26 =	simm.s32 $0x4A00;
	v3 =	vperm.xlane v3, v2  }
0x1e4: {  	[tilespmem:s26], [sflag:$0x4] =	stream.indirect_vreg.gather [hbm4b:s8+s5], $0x80, v4, vm0, $0xb8;
	[tilespmem:$0x10200] =	vst v63  }
0x1e5: {  	s28 =	simm.s32 $0x5200;
	v3 =	vadd.s32 v1, v3  }
0x1e6: {  	[tilespmem:s28], [sflag:$0x4] =	stream.indirect_vreg.gather [hbm4b:s9+s5], $0x80, v4, vm0, $0xb8;
	[tilespmem:$0x10200] =	vst v63  }
0x1e7: {  	s29 =	simm.s32 $0x5A00  }
0x1e8: {  	[tilespmem:s29], [sflag:$0x4] =	stream.indirect_vreg.gather [hbm4b:s10+s5], $0x80, v4, vm0, $0xb8;
	[tilespmem:$0x10200] =	vst v63  }
0x1e9: {  	s30 =	simm.s32 $0x6200  }
0x1ea: {  	[tilespmem:s30], [sflag:$0x4] =	stream.indirect_vreg.gather [hbm4b:s2+s5], $0x80, v3, vm0, $0xb8;
	[tilespmem:$0x10200] =	vst v63  }
0x1eb: {  	s31 =	simm.s32 $0x6A00  }
0x1ec: {  	[tilespmem:s31], [sflag:$0x4] =	stream.indirect_vreg.gather [hbm4b:s8+s5], $0x80, v3, vm0, $0xb8;
	[tilespmem:$0x10200] =	vst v63  }
0x1ed: {  	s4 =	simm.s32 $0x7200  }
0x1ee: {  	[tilespmem:s4], [sflag:$0x4] =	stream.indirect_vreg.gather [hbm4b:s9+s5], $0x80, v3, vm0, $0xb8;
	[tilespmem:$0x10200] =	vst v63  }
0x1ef: {  	s6 =	simm.s32 $0x7A00  }
0x1f0: {  	[tilespmem:s6], [sflag:$0x4] =	stream.indirect_vreg.gather [hbm4b:s10+s5], $0x80, v3, vm0, $0xb8;
	[tilespmem:$0x10200] =	vst v63  }
0x1f1: {  	v3 =	vld [tilespmem:s0+$0x130];
	_ =	sdelay $0x4  }
0x1f2: {  	v63 =	vshll.u32 v3, $0x3  }
0x1f3: {  	v3 =	vand.u32 $0x7, v3;
	v4 =	vand.u32 $0xFFFFFFC0, v63  }
0x1f4: {  	v3 =	vor.u32 v3, v4  }
0x1f5: {  	v4 =	vperm.xlane v3, v0;
	_ =	sdelay $0x1  }
0x1f6: {  	v4 =	vadd.s32 v1, v4;
	_ =	sdelay $0x3  }
0x1f7: {  	s15 =	simm.s32 $0xC200  }
0x1f8: {  	[tilespmem:s15], [sflag:$0x6] =	stream.indirect_vreg.gather [hbm4b:s3+s5], $0x80, v4, vm0, $0xb8;
	[tilespmem:$0x10200] =	vst v63  }
0x1f9: {  	s19 =	simm.s32 $0xCA00;
	v3 =	vperm.xlane v3, v2  }
0x1fa: {  	[tilespmem:s19], [sflag:$0x6] =	stream.indirect_vreg.gather [hbm4b:s11+s5], $0x80, v4, vm0, $0xb8;
	[tilespmem:$0x10200] =	vst v63  }
0x1fb: {  	s25 =	simm.s32 $0xD200;
	v3 =	vadd.s32 v1, v3  }
0x1fc: {  	[tilespmem:s25], [sflag:$0x6] =	stream.indirect_vreg.gather [hbm4b:s12+s5], $0x80, v4, vm0, $0xb8;
	[tilespmem:$0x10200] =	vst v63  }
0x1fd: {  	s26 =	simm.s32 $0xDA00  }
0x1fe: {  	[tilespmem:s26], [sflag:$0x6] =	stream.indirect_vreg.gather [hbm4b:s13+s5], $0x80, v4, vm0, $0xb8;
	[tilespmem:$0x10200] =	vst v63  }
0x1ff: {  	s28 =	simm.s32 $0xE200  }
0x200: {  	[tilespmem:s28], [sflag:$0x6] =	stream.indirect_vreg.gather [hbm4b:s3+s5], $0x80, v3, vm0, $0xb8;
	[tilespmem:$0x10200] =	vst v63  }
0x201: {  	s29 =	simm.s32 $0xEA00  }
0x202: {  	[tilespmem:s29], [sflag:$0x6] =	stream.indirect_vreg.gather [hbm4b:s11+s5], $0x80, v3, vm0, $0xb8;
	[tilespmem:$0x10200] =	vst v63  }
.Ltmp5:
0x203: {  	_ = 	snop;
	(pc) =	sbr.rel .LBB2_2-.Ltmp5, $4  }
0x204: {  	s30 =	simm.s32 $0xF200  }
0x205: {  	[tilespmem:s30], [sflag:$0x6] =	stream.indirect_vreg.gather [hbm4b:s12+s5], $0x80, v3, vm0, $0xb8;
	[tilespmem:$0x10200] =	vst v63  }
0x206: {  	s24 =	sadd.s32 $0x1, s24;
	s31 =	simm.s32 $0xFA00  }
0x207: {  	[tilespmem:s31], [sflag:$0x6] =	stream.indirect_vreg.gather [hbm4b:s13+s5], $0x80, v3, vm0, $0xb8;
	[tilespmem:$0x10200] =	vst v63  }
.LBB2_9:
0x208: {  	_ =	sfence.sel $0x180000  }
0x209: {  	[bflag:$0x0] =	sbarrier.arrive $0xFFFF  }
0x20a: {  	_ =	strace $0x90000047  }
0x20b: {  	s0 =	stileid.u32;
	[bflag:$0x2] =	sbarrier.arrive $0xFFFF  }
0x20c: {  	p0 =	sne.s32 s0, $0x0;
	s0 =	rddreg [dreg:$0x5]  }
0x20d: {  	s0 =	sadd.s32 @!p0 $0x100000, s0  }
0x20e: {  	[sflag:s0] =	ssyncadd.tile.s32 @!p0 $0x1;
	_ =	shalt  }
.Lfunc_end2:
_tile_overlayer_lowered:
.L_overlay_start_2:
0x20f: {  	(tag) =	ssettag $0x2  }
0x210: {  	s0 =	rddreg [dreg:$0x0];
	s2 =	stileid.u32  }
0x211: {  	s1 =	rddreg [dreg:$0x1];
	p0 =	sne.s32 s2, $0x0  }
0x212: {  	s3 =	rddreg [dreg:$0x2];
	[bflag:$0x3] =	sbarrier.arrive $0xFFFF;
	s2 =	simm.s32 @!p0 $0x1C09  }
0x213: {  	[timem:s3], [sflag:s2] =	dma.local @!p0 [hbm:s0], s1  }
0x214: {  	s0 =	simm.s32 @!p0 $0x9  }
0x215: {  	_ =	swait.ge @!p0 [sflag:s0], s1  }
0x216: {  	s1 =	ssub.s32 @!p0 $0x0, s1;
	[sflag:s0] =	ssyncset.done @!p0 $0x0  }
0x217: {  	[sflag:s0] =	ssyncadd.s32 @!p0 s1  }
0x218: {  	[bflag:$0x3] =	sbarrier.arrive $0xFFFF  }
0x219: {  	_ =	shalt  }

</sc_bundles>
